<compile_context>
chip_gen: v7x
topology: tpu7x:2x2x1
jax: 0.10.2.dev20260603
libtpu: 0.0.44.dev20260713+nightly
codegen_flags: <defaults>
</compile_context>

<pallas_src>
import functools

import jax
import jax.numpy as jnp
from jax import lax
from jax.experimental import pallas as pl
from jax.experimental.pallas import tpu as pltpu
from jax.experimental.pallas import tpu_sc as plsc

N = 10000
R = 4
E = 80000
IN = 128
OUT = 16
NB = 2

CHUNK = 128
NCHUNK = 80
TILES_PER_REL = 8
EP = TILES_PER_REL * NCHUNK * CHUNK
NP8 = 1280
NPAD = 8 * NP8
DEPTH = 8
GAHEAD = 4
BN = 2000


def _mm_body(xp_ref, bd_ref, coeff_ref, y_ref):
    xb = xp_ref[...]
    for r in range(R):
        wbd = coeff_ref[r, 0] * bd_ref[0] + coeff_ref[r, 1] * bd_ref[1]
        y_ref[r] = jnp.dot(xb, wbd, preferred_element_type=jnp.float32)


MB = NP8 // 2


def _stage1(xp, bases_bd, coeff):
    return pl.pallas_call(
        _mm_body,
        grid=(NP8 // MB,),
        in_specs=[
            pl.BlockSpec((MB, 8 * IN), lambda i: (i, 0)),
            pl.BlockSpec((NB, 8 * IN, 8 * OUT), lambda i: (0, 0, 0)),
            pl.BlockSpec(memory_space=pltpu.SMEM),
        ],
        out_specs=pl.BlockSpec((R, MB, 8 * OUT), lambda i: (0, i, 0)),
        out_shape=jax.ShapeDtypeStruct((R, NP8, 8 * OUT), jnp.float32),
    )(xp, bases_bd, coeff)


_sc_mesh = plsc.VectorSubcoreMesh(core_axis_name="c", subcore_axis_name="s")


@functools.partial(
    pl.kernel,
    out_type=jax.ShapeDtypeStruct((2, NPAD, OUT), jnp.float32),
    mesh=_sc_mesh,
    compiler_params=pltpu.CompilerParams(use_tc_tiling_on_sc=False),
    scratch_types=[
        pltpu.VMEM((NCHUNK, CHUNK), jnp.int32),
        pltpu.VMEM((NCHUNK, CHUNK), jnp.int32),
        pltpu.VMEM_SHARED((NPAD, OUT), jnp.float32),
        pltpu.VMEM_SHARED((2 * NPAD, OUT), jnp.float32),
    ]
    + [pltpu.VMEM((CHUNK, OUT), jnp.float32) for _ in range(DEPTH)]
    + [pltpu.SemaphoreType.DMA for _ in range(2 * DEPTH)],
)
def _sc_scatter(y_hbm, src_hbm, dst_hbm, zeros_hbm, out_hbm,
                src_v, dst_v, acc, y_sp, *rows_and_sems):
    rows_v = rows_and_sems[:DEPTH]
    gsems = rows_and_sems[DEPTH:2 * DEPTH]
    ssems = rows_and_sems[2 * DEPTH:]
    cid = lax.axis_index("c")
    sid = lax.axis_index("s")
    blk = (2 * cid + sid // TILES_PER_REL) * TILES_PER_REL + sid % TILES_PER_REL

    acc16 = acc
    y16 = y_sp

    zrows = NPAD // 16
    pltpu.sync_copy(zeros_hbm.at[pl.ds(sid * zrows, zrows)],
                    acc.at[pl.ds(sid * zrows, zrows)])

    yrows = 2 * NPAD // 16
    pltpu.sync_copy(y_hbm.at[pl.ds(cid * 2 * NPAD + sid * yrows, yrows)],
                    y_sp.at[pl.ds(sid * yrows, yrows)])

    pltpu.sync_copy(src_hbm.at[blk], src_v)
    pltpu.sync_copy(dst_hbm.at[blk], dst_v)
    plsc.subcore_barrier()

    def _wait_gather(b):
        pltpu.make_async_copy(y16.at[pl.ds(0, CHUNK)], rows_v[b],
                              gsems[b]).wait()

    def _wait_scatter(b):
        pltpu.make_async_copy(rows_v[b], acc16.at[dst_v.at[0]],
                              ssems[b]).wait()

    def _gather(g, b):
        pltpu.async_copy(y16.at[src_v.at[g]], rows_v[b], gsems[b])

    def _scatter(c, b):
        pltpu.async_copy(rows_v[b], acc16.at[dst_v.at[c]], ssems[b], add=True)

    for g in range(GAHEAD):
        _gather(g, g)
    for c in range(DEPTH):
        _wait_gather(c)
        _scatter(c, c)
        g = c + GAHEAD
        if g >= DEPTH:
            _wait_scatter(g % DEPTH)
        _gather(g, g % DEPTH)

    def body(i, carry):
        for u in range(DEPTH):
            c = i * DEPTH + u
            _wait_gather(u)
            _scatter(c, u)
            g = c + GAHEAD
            bg = (u + GAHEAD) % DEPTH

            @pl.when(g < NCHUNK)
            def _next():
                _wait_scatter(bg)
                _gather(g, bg)
        return carry

    lax.fori_loop(1, NCHUNK // DEPTH, body, 0)

    for b in range(DEPTH):
        _wait_scatter(b)

    plsc.subcore_barrier()

    pltpu.sync_copy(acc.at[pl.ds(sid * zrows, zrows)],
                    out_hbm.at[cid, pl.ds(sid * zrows, zrows)])


SB = NP8


def _sm_body(p_ref, o_ref):
    s = p_ref[0] + p_ref[1]
    parts = []
    for g in range(8):
        sg = s[:, g * OUT:(g + 1) * OUT]
        m = jnp.max(sg, axis=1, keepdims=True)
        e = jnp.exp(sg - m)
        parts.append(e / jnp.sum(e, axis=1, keepdims=True))
    o_ref[...] = jnp.concatenate(parts, axis=1)


def _stage3(partial128):
    return pl.pallas_call(
        _sm_body,
        in_specs=[pl.BlockSpec((2, NP8, 8 * OUT), lambda: (0, 0, 0))],
        out_specs=pl.BlockSpec((NP8, 8 * OUT), lambda: (0, 0)),
        out_shape=jax.ShapeDtypeStruct((NP8, 8 * OUT), jnp.float32),
    )(partial128)


def kernel(x, edge_src, edge_dst, bases, coeff):
    xp = jnp.pad(x, ((0, NPAD - N), (0, 0))).reshape(NP8, 8 * IN)
    eye8 = jnp.eye(8, dtype=jnp.float32)
    bases_bd = (eye8[None, :, None, :, None] *
                bases[:, None, :, None, :]).reshape(NB, 8 * IN, 8 * OUT)
    yp = _stage1(xp, bases_bd, coeff)
    y = yp.reshape(R * NPAD, OUT)

    pad = EP - E
    src = edge_src.astype(jnp.int32)
    dst = edge_dst.astype(jnp.int32)
    src = jnp.pad(src, ((0, 0), (0, pad))) + \
        ((jnp.arange(R, dtype=jnp.int32) % 2) * NPAD)[:, None]
    dst = jnp.pad(dst, ((0, 0), (0, pad)), constant_values=N)
    src_blocks = src.reshape(R * TILES_PER_REL, NCHUNK, CHUNK)
    dst_blocks = dst.reshape(R * TILES_PER_REL, NCHUNK, CHUNK)
    zeros = jnp.zeros((NPAD, OUT), jnp.float32)

    partial = _sc_scatter(y, src_blocks, dst_blocks, zeros)
    sm = _stage3(partial.reshape(2, NP8, 8 * OUT))
    return sm[:N // 8].reshape(N, OUT)

# --- scband reference (transcript-rebuilt; emitter-appended) ---
"""Pipeline reference for scband-node-classifier-rgcn-9517647528105 (READ-ONLY COPY).

The authoritative reference and input builder live on the scoring server;
editing this copy changes nothing except your own understanding.
"""

import jax, jax.numpy as jnp
import numpy as np

N = 10000      # n_nodes
R = 4          # n_relations
E = 80000      # edges per relation
IN = 128       # in_dim
OUT = 16       # out_dim (num classes)
NB = 2         # num_bases


def setup_inputs(seed: int = 0) -> dict:
    key = jax.random.key(seed)
    k1, k2, k3, k4, k5 = jax.random.split(key, 5)
    x = jax.random.normal(k1, (N, IN), dtype=jnp.float32)
    edge_src = jax.random.randint(k2, (R, E), 0, N)
    edge_dst = jax.random.randint(k3, (R, E), 0, N)
    # basis-decomposed relation weights: W_r = sum_b coeff[r,b] * bases[b]
    bases = jax.random.normal(k4, (NB, IN, OUT), dtype=jnp.float32) * 0.05
    coeff = jax.random.normal(k5, (R, NB), dtype=jnp.float32)
    return {"x": x, "edge_src": edge_src, "edge_dst": edge_dst,
            "bases": bases, "coeff": coeff}


def reference(x, edge_src, edge_dst, bases, coeff):
    # RelGraphConvHetero with basis regularizer:
    # per-relation weight from shared bases
    W = jnp.einsum('rb,bio->rio', coeff, bases)  # [R, IN, OUT]
    out = jnp.zeros((N, OUT), dtype=x.dtype)
    for r in range(R):
        # message: gather source features, transform by relation weight
        m = jnp.take(x, edge_src[r], axis=0) @ W[r]          # [E, OUT]
        # aggregate: scatter-add onto destination nodes
        out = out + jax.ops.segment_sum(m, edge_dst[r], num_segments=N)
    # cross-relation aggregation = sum (done above); activation = softmax(dim=1)
    return jax.nn.softmax(out, axis=1)

if __name__ == "__main__":
    import jax
    _d = setup_inputs()
    print(jax.jit(kernel)(*tuple(_d.values())))

</pallas_src>

<mosaic_0001>
#map = affine_map<(d0, d1) -> (0, 0)>
#map1 = affine_map<(d0, d1) -> (0, 0, 0)>
module attributes {stable_mosaic.version = 14 : i64} {
  func.func @_sc_scatter(%arg0: i32, %arg1: i32, %arg2: memref<40960x16xf32, #tpu.memory_space<hbm>>, %arg3: memref<32x80x128xi32, #tpu.memory_space<hbm>>, %arg4: memref<32x80x128xi32, #tpu.memory_space<hbm>>, %arg5: memref<10240x16xf32, #tpu.memory_space<hbm>>, %arg6: memref<2x10240x16xf32, #tpu.memory_space<hbm>>, %arg7: memref<80x128xi32, #tpu.memory_space<vmem>>, %arg8: memref<80x128xi32, #tpu.memory_space<vmem>>, %arg9: memref<10240x16xf32, #tpu.memory_space<vmem_shared>>, %arg10: memref<20480x16xf32, #tpu.memory_space<vmem_shared>>, %arg11: memref<128x16xf32, #tpu.memory_space<vmem>>, %arg12: memref<128x16xf32, #tpu.memory_space<vmem>>, %arg13: memref<128x16xf32, #tpu.memory_space<vmem>>, %arg14: memref<128x16xf32, #tpu.memory_space<vmem>>, %arg15: memref<128x16xf32, #tpu.memory_space<vmem>>, %arg16: memref<128x16xf32, #tpu.memory_space<vmem>>, %arg17: memref<128x16xf32, #tpu.memory_space<vmem>>, %arg18: memref<128x16xf32, #tpu.memory_space<vmem>>, %arg19: memref<!tpu.dma_semaphore, #tpu.memory_space<semaphore_mem>>, %arg20: memref<!tpu.dma_semaphore, #tpu.memory_space<semaphore_mem>>, %arg21: memref<!tpu.dma_semaphore, #tpu.memory_space<semaphore_mem>>, %arg22: memref<!tpu.dma_semaphore, #tpu.memory_space<semaphore_mem>>, %arg23: memref<!tpu.dma_semaphore, #tpu.memory_space<semaphore_mem>>, %arg24: memref<!tpu.dma_semaphore, #tpu.memory_space<semaphore_mem>>, %arg25: memref<!tpu.dma_semaphore, #tpu.memory_space<semaphore_mem>>, %arg26: memref<!tpu.dma_semaphore, #tpu.memory_space<semaphore_mem>>, %arg27: memref<!tpu.dma_semaphore, #tpu.memory_space<semaphore_mem>>, %arg28: memref<!tpu.dma_semaphore, #tpu.memory_space<semaphore_mem>>, %arg29: memref<!tpu.dma_semaphore, #tpu.memory_space<semaphore_mem>>, %arg30: memref<!tpu.dma_semaphore, #tpu.memory_space<semaphore_mem>>, %arg31: memref<!tpu.dma_semaphore, #tpu.memory_space<semaphore_mem>>, %arg32: memref<!tpu.dma_semaphore, #tpu.memory_space<semaphore_mem>>, %arg33: memref<!tpu.dma_semaphore, #tpu.memory_space<semaphore_mem>>, %arg34: memref<!tpu.dma_semaphore, #tpu.memory_space<semaphore_mem>>) attributes {dimension_semantics = [#tpu.dimension_semantics<core_parallel>, #tpu.dimension_semantics<subcore_parallel>], iteration_bounds = array<i64: 2, 16>, scalar_prefetch = 0 : i64, scratch_operands = 28 : i64, tpu.core_type = #tpu.core_type<sc_vector_subcore>, window_params = [{transform_indices = #map}, {transform_indices = #map1}, {transform_indices = #map1}, {transform_indices = #map}, {transform_indices = #map1}]} {
    %mul3A = arith.constant 2 : i32
    %mul3A_0 = arith.muli %mul3A, %arg0 : i32
    %jit3A = arith.constant 8 : i32
    %div3A = arith.divsi %arg1, %jit3A : i32
    %sign3A = arith.constant 0 : i32
    %sign3A_1 = arith.cmpi sgt, %arg1, %sign3A : i32
    %sign3A_2 = arith.extui %sign3A_1 : i1 to i32
    %sign3A_3 = arith.constant 0 : i32
    %sign3A_4 = arith.cmpi slt, %arg1, %sign3A_3 : i32
    %sign3A_5 = arith.extui %sign3A_4 : i1 to i32
    %sign3A_6 = arith.subi %sign3A_2, %sign3A_5 : i32
    %sign3A_7 = arith.constant 0 : i32
    %sign3A_8 = arith.cmpi sgt, %jit3A, %sign3A_7 : i32
    %sign3A_9 = arith.extui %sign3A_8 : i1 to i32
    %sign3A_10 = arith.constant 0 : i32
    %sign3A_11 = arith.cmpi slt, %jit3A, %sign3A_10 : i32
    %sign3A_12 = arith.extui %sign3A_11 : i1 to i32
    %sign3A_13 = arith.subi %sign3A_9, %sign3A_12 : i32
    %ne3A = arith.cmpi ne, %sign3A_6, %sign3A_13 : i32
    %rem3A = arith.remsi %arg1, %jit3A : i32
    %ne3A_14 = arith.constant 0 : i32
    %ne3A_15 = arith.cmpi ne, %rem3A, %ne3A_14 : i32
    %and3A = arith.andi %ne3A, %ne3A_15 : i1
    %sub3A = arith.constant 1 : i32
    %sub3A_16 = arith.subi %div3A, %sub3A : i32
    %select_n3A = arith.select %and3A, %sub3A_16, %div3A : i32
    %add3A = arith.addi %mul3A_0, %select_n3A : i32
    %mul3A_17 = arith.constant 8 : i32
    %mul3A_18 = arith.muli %add3A, %mul3A_17 : i32
    %jit3A_19 = arith.constant 8 : i32
    %eq3A = arith.constant 0 : i32
    %eq3A_20 = arith.cmpi eq, %jit3A_19, %eq3A : i32
    %jit3A_21 = arith.constant 1 : i32
    %select_n3A_22 = arith.select %eq3A_20, %jit3A_21, %jit3A_19 : i32
    %rem3A_23 = arith.remsi %arg1, %select_n3A_22 : i32
    %ne3A_24 = arith.constant 0 : i32
    %ne3A_25 = arith.cmpi ne, %rem3A_23, %ne3A_24 : i32
    %lt3A = arith.constant 0 : i32
    %lt3A_26 = arith.cmpi slt, %rem3A_23, %lt3A : i32
    %lt3A_27 = arith.constant 0 : i32
    %lt3A_28 = arith.cmpi slt, %select_n3A_22, %lt3A_27 : i32
    %ne3A_29 = arith.xori %lt3A_26, %lt3A_28 : i1
    %and3A_30 = arith.andi %ne3A_29, %ne3A_25 : i1
    %add3A_31 = arith.addi %rem3A_23, %select_n3A_22 : i32
    %select_n3A_32 = arith.select %and3A_30, %add3A_31, %rem3A_23 : i32
    %add3A_33 = arith.addi %mul3A_18, %select_n3A_32 : i32
    %mul3A_34 = arith.constant 640 : i32
    %mul3A_35 = arith.muli %arg1, %mul3A_34 : i32
    %mul3A_36 = arith.constant 640 : i32
    %mul3A_37 = arith.muli %arg1, %mul3A_36 : i32
    "tpu.region"() ({
      %run_scoped3A = tpu.sem_alloc : memref<!tpu.dma_semaphore, #tpu.memory_space<semaphore_mem>>
      %dma_start3A_327 = arith.constant 0 : i32
      %dma_start3A_328 = tpu.memref_slice %arg9[%mul3A_37, %dma_start3A_327] : memref<10240x16xf32, #tpu.memory_space<vmem_shared>> -> memref<640x16xf32, #tpu.memory_space<vmem_shared>>
      %dma_start3A_329 = arith.constant 0 : i32
      %dma_start3A_330 = tpu.memref_slice %arg5[%mul3A_35, %dma_start3A_329] : memref<10240x16xf32, #tpu.memory_space<hbm>> -> memref<640x16xf32, #tpu.memory_space<hbm>>
      tpu.enqueue_dma source(%dma_start3A_330 : memref<640x16xf32, #tpu.memory_space<hbm>>) target(%dma_start3A_328 : memref<640x16xf32, #tpu.memory_space<vmem_shared>>) target_semaphore(%run_scoped3A : memref<!tpu.dma_semaphore, #tpu.memory_space<semaphore_mem>>)
      %dma_wait3A_331 = arith.constant 0 : i32
      %dma_wait3A_332 = tpu.memref_slice %arg9[%mul3A_37, %dma_wait3A_331] : memref<10240x16xf32, #tpu.memory_space<vmem_shared>> -> memref<640x16xf32, #tpu.memory_space<vmem_shared>>
      %dma_wait3A_333 = arith.constant 0 : i32
      %dma_wait3A_334 = tpu.memref_slice %arg5[%mul3A_35, %dma_wait3A_333] : memref<10240x16xf32, #tpu.memory_space<hbm>> -> memref<640x16xf32, #tpu.memory_space<hbm>>
      tpu.wait_dma2 semaphore(%run_scoped3A : memref<!tpu.dma_semaphore, #tpu.memory_space<semaphore_mem>>) src(%dma_wait3A_334 : memref<640x16xf32, #tpu.memory_space<hbm>>) dst(%dma_wait3A_332 : memref<640x16xf32, #tpu.memory_space<vmem_shared>>)
      tpu.yield
    }) : () -> ()
    %mul3A_38 = arith.constant 2 : i32
    %mul3A_39 = arith.muli %arg0, %mul3A_38 : i32
    %mul3A_40 = arith.constant 10240 : i32
    %mul3A_41 = arith.muli %mul3A_39, %mul3A_40 : i32
    %mul3A_42 = arith.constant 1280 : i32
    %mul3A_43 = arith.muli %arg1, %mul3A_42 : i32
    %add3A_44 = arith.addi %mul3A_41, %mul3A_43 : i32
    %mul3A_45 = arith.constant 1280 : i32
    %mul3A_46 = arith.muli %arg1, %mul3A_45 : i32
    "tpu.region"() ({
      %run_scoped3A = tpu.sem_alloc : memref<!tpu.dma_semaphore, #tpu.memory_space<semaphore_mem>>
      %dma_start3A_327 = arith.constant 0 : i32
      %dma_start3A_328 = tpu.memref_slice %arg10[%mul3A_46, %dma_start3A_327] : memref<20480x16xf32, #tpu.memory_space<vmem_shared>> -> memref<1280x16xf32, #tpu.memory_space<vmem_shared>>
      %dma_start3A_329 = arith.constant 0 : i32
      %dma_start3A_330 = tpu.memref_slice %arg2[%add3A_44, %dma_start3A_329] : memref<40960x16xf32, #tpu.memory_space<hbm>> -> memref<1280x16xf32, #tpu.memory_space<hbm>>
      tpu.enqueue_dma source(%dma_start3A_330 : memref<1280x16xf32, #tpu.memory_space<hbm>>) target(%dma_start3A_328 : memref<1280x16xf32, #tpu.memory_space<vmem_shared>>) target_semaphore(%run_scoped3A : memref<!tpu.dma_semaphore, #tpu.memory_space<semaphore_mem>>)
      %dma_wait3A_331 = arith.constant 0 : i32
      %dma_wait3A_332 = tpu.memref_slice %arg10[%mul3A_46, %dma_wait3A_331] : memref<20480x16xf32, #tpu.memory_space<vmem_shared>> -> memref<1280x16xf32, #tpu.memory_space<vmem_shared>>
      %dma_wait3A_333 = arith.constant 0 : i32
      %dma_wait3A_334 = tpu.memref_slice %arg2[%add3A_44, %dma_wait3A_333] : memref<40960x16xf32, #tpu.memory_space<hbm>> -> memref<1280x16xf32, #tpu.memory_space<hbm>>
      tpu.wait_dma2 semaphore(%run_scoped3A : memref<!tpu.dma_semaphore, #tpu.memory_space<semaphore_mem>>) src(%dma_wait3A_334 : memref<1280x16xf32, #tpu.memory_space<hbm>>) dst(%dma_wait3A_332 : memref<1280x16xf32, #tpu.memory_space<vmem_shared>>)
      tpu.yield
    }) : () -> ()
    "tpu.region"() ({
      %run_scoped3A = tpu.sem_alloc : memref<!tpu.dma_semaphore, #tpu.memory_space<semaphore_mem>>
      %dma_start3A_327 = arith.constant 0 : i32
      %dma_start3A_328 = arith.constant 0 : i32
      %dma_start3A_329 = tpu.memref_slice %arg3[%add3A_33, %dma_start3A_327, %dma_start3A_328] : memref<32x80x128xi32, #tpu.memory_space<hbm>> -> memref<1x80x128xi32, #tpu.memory_space<hbm>>
      %dma_start3A_330 = tpu.memref_squeeze %dma_start3A_329 : memref<1x80x128xi32, #tpu.memory_space<hbm>> -> memref<80x128xi32, #tpu.memory_space<hbm>>
      %dma_start3A_331 = arith.constant 0 : i32
      %dma_start3A_332 = arith.constant 0 : i32
      %dma_start3A_333 = tpu.memref_slice %arg3[%add3A_33, %dma_start3A_331, %dma_start3A_332] : memref<32x80x128xi32, #tpu.memory_space<hbm>> -> memref<1x80x128xi32, #tpu.memory_space<hbm>>
      %dma_start3A_334 = tpu.memref_squeeze %dma_start3A_333 : memref<1x80x128xi32, #tpu.memory_space<hbm>> -> memref<80x128xi32, #tpu.memory_space<hbm>>
      tpu.enqueue_dma source(%dma_start3A_334 : memref<80x128xi32, #tpu.memory_space<hbm>>) target(%arg7 : memref<80x128xi32, #tpu.memory_space<vmem>>) target_semaphore(%run_scoped3A : memref<!tpu.dma_semaphore, #tpu.memory_space<semaphore_mem>>)
      %dma_wait3A_335 = arith.constant 0 : i32
      %dma_wait3A_336 = arith.constant 0 : i32
      %dma_wait3A_337 = tpu.memref_slice %arg3[%add3A_33, %dma_wait3A_335, %dma_wait3A_336] : memref<32x80x128xi32, #tpu.memory_space<hbm>> -> memref<1x80x128xi32, #tpu.memory_space<hbm>>
      %dma_wait3A_338 = tpu.memref_squeeze %dma_wait3A_337 : memref<1x80x128xi32, #tpu.memory_space<hbm>> -> memref<80x128xi32, #tpu.memory_space<hbm>>
      %dma_wait3A_339 = arith.constant 0 : i32
      %dma_wait3A_340 = arith.constant 0 : i32
      %dma_wait3A_341 = tpu.memref_slice %arg3[%add3A_33, %dma_wait3A_339, %dma_wait3A_340] : memref<32x80x128xi32, #tpu.memory_space<hbm>> -> memref<1x80x128xi32, #tpu.memory_space<hbm>>
      %dma_wait3A_342 = tpu.memref_squeeze %dma_wait3A_341 : memref<1x80x128xi32, #tpu.memory_space<hbm>> -> memref<80x128xi32, #tpu.memory_space<hbm>>
      tpu.wait_dma2 semaphore(%run_scoped3A : memref<!tpu.dma_semaphore, #tpu.memory_space<semaphore_mem>>) src(%dma_wait3A_342 : memref<80x128xi32, #tpu.memory_space<hbm>>) dst(%arg7 : memref<80x128xi32, #tpu.memory_space<vmem>>)
      tpu.yield
    }) : () -> ()
    "tpu.region"() ({
      %run_scoped3A = tpu.sem_alloc : memref<!tpu.dma_semaphore, #tpu.memory_space<semaphore_mem>>
      %dma_start3A_327 = arith.constant 0 : i32
      %dma_start3A_328 = arith.constant 0 : i32
      %dma_start3A_329 = tpu.memref_slice %arg4[%add3A_33, %dma_start3A_327, %dma_start3A_328] : memref<32x80x128xi32, #tpu.memory_space<hbm>> -> memref<1x80x128xi32, #tpu.memory_space<hbm>>
      %dma_start3A_330 = tpu.memref_squeeze %dma_start3A_329 : memref<1x80x128xi32, #tpu.memory_space<hbm>> -> memref<80x128xi32, #tpu.memory_space<hbm>>
      %dma_start3A_331 = arith.constant 0 : i32
      %dma_start3A_332 = arith.constant 0 : i32
      %dma_start3A_333 = tpu.memref_slice %arg4[%add3A_33, %dma_start3A_331, %dma_start3A_332] : memref<32x80x128xi32, #tpu.memory_space<hbm>> -> memref<1x80x128xi32, #tpu.memory_space<hbm>>
      %dma_start3A_334 = tpu.memref_squeeze %dma_start3A_333 : memref<1x80x128xi32, #tpu.memory_space<hbm>> -> memref<80x128xi32, #tpu.memory_space<hbm>>
      tpu.enqueue_dma source(%dma_start3A_334 : memref<80x128xi32, #tpu.memory_space<hbm>>) target(%arg8 : memref<80x128xi32, #tpu.memory_space<vmem>>) target_semaphore(%run_scoped3A : memref<!tpu.dma_semaphore, #tpu.memory_space<semaphore_mem>>)
      %dma_wait3A_335 = arith.constant 0 : i32
      %dma_wait3A_336 = arith.constant 0 : i32
      %dma_wait3A_337 = tpu.memref_slice %arg4[%add3A_33, %dma_wait3A_335, %dma_wait3A_336] : memref<32x80x128xi32, #tpu.memory_space<hbm>> -> memref<1x80x128xi32, #tpu.memory_space<hbm>>
      %dma_wait3A_338 = tpu.memref_squeeze %dma_wait3A_337 : memref<1x80x128xi32, #tpu.memory_space<hbm>> -> memref<80x128xi32, #tpu.memory_space<hbm>>
      %dma_wait3A_339 = arith.constant 0 : i32
      %dma_wait3A_340 = arith.constant 0 : i32
      %dma_wait3A_341 = tpu.memref_slice %arg4[%add3A_33, %dma_wait3A_339, %dma_wait3A_340] : memref<32x80x128xi32, #tpu.memory_space<hbm>> -> memref<1x80x128xi32, #tpu.memory_space<hbm>>
      %dma_wait3A_342 = tpu.memref_squeeze %dma_wait3A_341 : memref<1x80x128xi32, #tpu.memory_space<hbm>> -> memref<80x128xi32, #tpu.memory_space<hbm>>
      tpu.wait_dma2 semaphore(%run_scoped3A : memref<!tpu.dma_semaphore, #tpu.memory_space<semaphore_mem>>) src(%dma_wait3A_342 : memref<80x128xi32, #tpu.memory_space<hbm>>) dst(%arg8 : memref<80x128xi32, #tpu.memory_space<vmem>>)
      tpu.yield
    }) : () -> ()
    %barrier3A = arith.constant 0 : index
    tpu.barrier barrier_id(%barrier3A)
    %dma_start3A = arith.constant 0 : i32
    %dma_start3A_47 = arith.constant 0 : i32
    %dma_start3A_48 = tpu.memref_slice %arg7[%dma_start3A, %dma_start3A_47] : memref<80x128xi32, #tpu.memory_space<vmem>> -> memref<1x128xi32, #tpu.memory_space<vmem>>
    %dma_start3A_49 = tpu.memref_squeeze %dma_start3A_48 : memref<1x128xi32, #tpu.memory_space<vmem>> -> memref<128xi32, #tpu.memory_space<vmem>>
    %dma_start3A_50 = arith.constant 0 : i32
    %dma_start3A_51 = arith.constant 0 : i32
    %dma_start3A_52 = tpu.memref_slice %arg10[%dma_start3A_50, %dma_start3A_51] : memref<20480x16xf32, #tpu.memory_space<vmem_shared>> -> memref<20480x16xf32, #tpu.memory_space<vmem_shared>>
    tpu.enqueue_indirect_dma source(%dma_start3A_52 : memref<20480x16xf32, #tpu.memory_space<vmem_shared>>) target(%arg11 : memref<128x16xf32, #tpu.memory_space<vmem>>) offsets(%dma_start3A_49 : memref<128xi32, #tpu.memory_space<vmem>>) semaphore(%arg19 : memref<!tpu.dma_semaphore, #tpu.memory_space<semaphore_mem>>)
    %dma_start3A_53 = arith.constant 1 : i32
    %dma_start3A_54 = arith.constant 0 : i32
    %dma_start3A_55 = tpu.memref_slice %arg7[%dma_start3A_53, %dma_start3A_54] : memref<80x128xi32, #tpu.memory_space<vmem>> -> memref<1x128xi32, #tpu.memory_space<vmem>>
    %dma_start3A_56 = tpu.memref_squeeze %dma_start3A_55 : memref<1x128xi32, #tpu.memory_space<vmem>> -> memref<128xi32, #tpu.memory_space<vmem>>
    %dma_start3A_57 = arith.constant 0 : i32
    %dma_start3A_58 = arith.constant 0 : i32
    %dma_start3A_59 = tpu.memref_slice %arg10[%dma_start3A_57, %dma_start3A_58] : memref<20480x16xf32, #tpu.memory_space<vmem_shared>> -> memref<20480x16xf32, #tpu.memory_space<vmem_shared>>
    tpu.enqueue_indirect_dma source(%dma_start3A_59 : memref<20480x16xf32, #tpu.memory_space<vmem_shared>>) target(%arg12 : memref<128x16xf32, #tpu.memory_space<vmem>>) offsets(%dma_start3A_56 : memref<128xi32, #tpu.memory_space<vmem>>) semaphore(%arg20 : memref<!tpu.dma_semaphore, #tpu.memory_space<semaphore_mem>>)
    %dma_start3A_60 = arith.constant 2 : i32
    %dma_start3A_61 = arith.constant 0 : i32
    %dma_start3A_62 = tpu.memref_slice %arg7[%dma_start3A_60, %dma_start3A_61] : memref<80x128xi32, #tpu.memory_space<vmem>> -> memref<1x128xi32, #tpu.memory_space<vmem>>
    %dma_start3A_63 = tpu.memref_squeeze %dma_start3A_62 : memref<1x128xi32, #tpu.memory_space<vmem>> -> memref<128xi32, #tpu.memory_space<vmem>>
    %dma_start3A_64 = arith.constant 0 : i32
    %dma_start3A_65 = arith.constant 0 : i32
    %dma_start3A_66 = tpu.memref_slice %arg10[%dma_start3A_64, %dma_start3A_65] : memref<20480x16xf32, #tpu.memory_space<vmem_shared>> -> memref<20480x16xf32, #tpu.memory_space<vmem_shared>>
    tpu.enqueue_indirect_dma source(%dma_start3A_66 : memref<20480x16xf32, #tpu.memory_space<vmem_shared>>) target(%arg13 : memref<128x16xf32, #tpu.memory_space<vmem>>) offsets(%dma_start3A_63 : memref<128xi32, #tpu.memory_space<vmem>>) semaphore(%arg21 : memref<!tpu.dma_semaphore, #tpu.memory_space<semaphore_mem>>)
    %dma_start3A_67 = arith.constant 3 : i32
    %dma_start3A_68 = arith.constant 0 : i32
    %dma_start3A_69 = tpu.memref_slice %arg7[%dma_start3A_67, %dma_start3A_68] : memref<80x128xi32, #tpu.memory_space<vmem>> -> memref<1x128xi32, #tpu.memory_space<vmem>>
    %dma_start3A_70 = tpu.memref_squeeze %dma_start3A_69 : memref<1x128xi32, #tpu.memory_space<vmem>> -> memref<128xi32, #tpu.memory_space<vmem>>
    %dma_start3A_71 = arith.constant 0 : i32
    %dma_start3A_72 = arith.constant 0 : i32
    %dma_start3A_73 = tpu.memref_slice %arg10[%dma_start3A_71, %dma_start3A_72] : memref<20480x16xf32, #tpu.memory_space<vmem_shared>> -> memref<20480x16xf32, #tpu.memory_space<vmem_shared>>
    tpu.enqueue_indirect_dma source(%dma_start3A_73 : memref<20480x16xf32, #tpu.memory_space<vmem_shared>>) target(%arg14 : memref<128x16xf32, #tpu.memory_space<vmem>>) offsets(%dma_start3A_70 : memref<128xi32, #tpu.memory_space<vmem>>) semaphore(%arg22 : memref<!tpu.dma_semaphore, #tpu.memory_space<semaphore_mem>>)
    %dma_wait3A = arith.constant 0 : i32
    %dma_wait3A_74 = arith.constant 0 : i32
    %dma_wait3A_75 = tpu.memref_slice %arg10[%dma_wait3A, %dma_wait3A_74] : memref<20480x16xf32, #tpu.memory_space<vmem_shared>> -> memref<128x16xf32, #tpu.memory_space<vmem_shared>>
    %dma_wait3A_76 = arith.constant 0 : i32
    %dma_wait3A_77 = arith.constant 0 : i32
    %dma_wait3A_78 = tpu.memref_slice %arg10[%dma_wait3A_76, %dma_wait3A_77] : memref<20480x16xf32, #tpu.memory_space<vmem_shared>> -> memref<128x16xf32, #tpu.memory_space<vmem_shared>>
    tpu.wait_dma2 semaphore(%arg19 : memref<!tpu.dma_semaphore, #tpu.memory_space<semaphore_mem>>) src(%dma_wait3A_78 : memref<128x16xf32, #tpu.memory_space<vmem_shared>>) dst(%arg11 : memref<128x16xf32, #tpu.memory_space<vmem>>)
    %dma_start3A_79 = arith.constant 0 : i32
    %dma_start3A_80 = arith.constant 0 : i32
    %dma_start3A_81 = tpu.memref_slice %arg8[%dma_start3A_79, %dma_start3A_80] : memref<80x128xi32, #tpu.memory_space<vmem>> -> memref<1x128xi32, #tpu.memory_space<vmem>>
    %dma_start3A_82 = tpu.memref_squeeze %dma_start3A_81 : memref<1x128xi32, #tpu.memory_space<vmem>> -> memref<128xi32, #tpu.memory_space<vmem>>
    %dma_start3A_83 = arith.constant 0 : i32
    %dma_start3A_84 = arith.constant 0 : i32
    %dma_start3A_85 = tpu.memref_slice %arg9[%dma_start3A_83, %dma_start3A_84] : memref<10240x16xf32, #tpu.memory_space<vmem_shared>> -> memref<10240x16xf32, #tpu.memory_space<vmem_shared>>
    tpu.enqueue_indirect_dma source(%arg11 : memref<128x16xf32, #tpu.memory_space<vmem>>) target(%dma_start3A_85 : memref<10240x16xf32, #tpu.memory_space<vmem_shared>>) offsets(%dma_start3A_82 : memref<128xi32, #tpu.memory_space<vmem>>) semaphore(%arg27 : memref<!tpu.dma_semaphore, #tpu.memory_space<semaphore_mem>>) {add = true}
    %dma_start3A_86 = arith.constant 4 : i32
    %dma_start3A_87 = arith.constant 0 : i32
    %dma_start3A_88 = tpu.memref_slice %arg7[%dma_start3A_86, %dma_start3A_87] : memref<80x128xi32, #tpu.memory_space<vmem>> -> memref<1x128xi32, #tpu.memory_space<vmem>>
    %dma_start3A_89 = tpu.memref_squeeze %dma_start3A_88 : memref<1x128xi32, #tpu.memory_space<vmem>> -> memref<128xi32, #tpu.memory_space<vmem>>
    %dma_start3A_90 = arith.constant 0 : i32
    %dma_start3A_91 = arith.constant 0 : i32
    %dma_start3A_92 = tpu.memref_slice %arg10[%dma_start3A_90, %dma_start3A_91] : memref<20480x16xf32, #tpu.memory_space<vmem_shared>> -> memref<20480x16xf32, #tpu.memory_space<vmem_shared>>
    tpu.enqueue_indirect_dma source(%dma_start3A_92 : memref<20480x16xf32, #tpu.memory_space<vmem_shared>>) target(%arg15 : memref<128x16xf32, #tpu.memory_space<vmem>>) offsets(%dma_start3A_89 : memref<128xi32, #tpu.memory_space<vmem>>) semaphore(%arg23 : memref<!tpu.dma_semaphore, #tpu.memory_space<semaphore_mem>>)
    %dma_wait3A_93 = arith.constant 0 : i32
    %dma_wait3A_94 = arith.constant 0 : i32
    %dma_wait3A_95 = tpu.memref_slice %arg10[%dma_wait3A_93, %dma_wait3A_94] : memref<20480x16xf32, #tpu.memory_space<vmem_shared>> -> memref<128x16xf32, #tpu.memory_space<vmem_shared>>
    %dma_wait3A_96 = arith.constant 0 : i32
    %dma_wait3A_97 = arith.constant 0 : i32
    %dma_wait3A_98 = tpu.memref_slice %arg10[%dma_wait3A_96, %dma_wait3A_97] : memref<20480x16xf32, #tpu.memory_space<vmem_shared>> -> memref<128x16xf32, #tpu.memory_space<vmem_shared>>
    tpu.wait_dma2 semaphore(%arg20 : memref<!tpu.dma_semaphore, #tpu.memory_space<semaphore_mem>>) src(%dma_wait3A_98 : memref<128x16xf32, #tpu.memory_space<vmem_shared>>) dst(%arg12 : memref<128x16xf32, #tpu.memory_space<vmem>>)
    %dma_start3A_99 = arith.constant 1 : i32
    %dma_start3A_100 = arith.constant 0 : i32
    %dma_start3A_101 = tpu.memref_slice %arg8[%dma_start3A_99, %dma_start3A_100] : memref<80x128xi32, #tpu.memory_space<vmem>> -> memref<1x128xi32, #tpu.memory_space<vmem>>
    %dma_start3A_102 = tpu.memref_squeeze %dma_start3A_101 : memref<1x128xi32, #tpu.memory_space<vmem>> -> memref<128xi32, #tpu.memory_space<vmem>>
    %dma_start3A_103 = arith.constant 0 : i32
    %dma_start3A_104 = arith.constant 0 : i32
    %dma_start3A_105 = tpu.memref_slice %arg9[%dma_start3A_103, %dma_start3A_104] : memref<10240x16xf32, #tpu.memory_space<vmem_shared>> -> memref<10240x16xf32, #tpu.memory_space<vmem_shared>>
    tpu.enqueue_indirect_dma source(%arg12 : memref<128x16xf32, #tpu.memory_space<vmem>>) target(%dma_start3A_105 : memref<10240x16xf32, #tpu.memory_space<vmem_shared>>) offsets(%dma_start3A_102 : memref<128xi32, #tpu.memory_space<vmem>>) semaphore(%arg28 : memref<!tpu.dma_semaphore, #tpu.memory_space<semaphore_mem>>) {add = true}
    %dma_start3A_106 = arith.constant 5 : i32
    %dma_start3A_107 = arith.constant 0 : i32
    %dma_start3A_108 = tpu.memref_slice %arg7[%dma_start3A_106, %dma_start3A_107] : memref<80x128xi32, #tpu.memory_space<vmem>> -> memref<1x128xi32, #tpu.memory_space<vmem>>
    %dma_start3A_109 = tpu.memref_squeeze %dma_start3A_108 : memref<1x128xi32, #tpu.memory_space<vmem>> -> memref<128xi32, #tpu.memory_space<vmem>>
    %dma_start3A_110 = arith.constant 0 : i32
    %dma_start3A_111 = arith.constant 0 : i32
    %dma_start3A_112 = tpu.memref_slice %arg10[%dma_start3A_110, %dma_start3A_111] : memref<20480x16xf32, #tpu.memory_space<vmem_shared>> -> memref<20480x16xf32, #tpu.memory_space<vmem_shared>>
    tpu.enqueue_indirect_dma source(%dma_start3A_112 : memref<20480x16xf32, #tpu.memory_space<vmem_shared>>) target(%arg16 : memref<128x16xf32, #tpu.memory_space<vmem>>) offsets(%dma_start3A_109 : memref<128xi32, #tpu.memory_space<vmem>>) semaphore(%arg24 : memref<!tpu.dma_semaphore, #tpu.memory_space<semaphore_mem>>)
    %dma_wait3A_113 = arith.constant 0 : i32
    %dma_wait3A_114 = arith.constant 0 : i32
    %dma_wait3A_115 = tpu.memref_slice %arg10[%dma_wait3A_113, %dma_wait3A_114] : memref<20480x16xf32, #tpu.memory_space<vmem_shared>> -> memref<128x16xf32, #tpu.memory_space<vmem_shared>>
    %dma_wait3A_116 = arith.constant 0 : i32
    %dma_wait3A_117 = arith.constant 0 : i32
    %dma_wait3A_118 = tpu.memref_slice %arg10[%dma_wait3A_116, %dma_wait3A_117] : memref<20480x16xf32, #tpu.memory_space<vmem_shared>> -> memref<128x16xf32, #tpu.memory_space<vmem_shared>>
    tpu.wait_dma2 semaphore(%arg21 : memref<!tpu.dma_semaphore, #tpu.memory_space<semaphore_mem>>) src(%dma_wait3A_118 : memref<128x16xf32, #tpu.memory_space<vmem_shared>>) dst(%arg13 : memref<128x16xf32, #tpu.memory_space<vmem>>)
    %dma_start3A_119 = arith.constant 2 : i32
    %dma_start3A_120 = arith.constant 0 : i32
    %dma_start3A_121 = tpu.memref_slice %arg8[%dma_start3A_119, %dma_start3A_120] : memref<80x128xi32, #tpu.memory_space<vmem>> -> memref<1x128xi32, #tpu.memory_space<vmem>>
    %dma_start3A_122 = tpu.memref_squeeze %dma_start3A_121 : memref<1x128xi32, #tpu.memory_space<vmem>> -> memref<128xi32, #tpu.memory_space<vmem>>
    %dma_start3A_123 = arith.constant 0 : i32
    %dma_start3A_124 = arith.constant 0 : i32
    %dma_start3A_125 = tpu.memref_slice %arg9[%dma_start3A_123, %dma_start3A_124] : memref<10240x16xf32, #tpu.memory_space<vmem_shared>> -> memref<10240x16xf32, #tpu.memory_space<vmem_shared>>
    tpu.enqueue_indirect_dma source(%arg13 : memref<128x16xf32, #tpu.memory_space<vmem>>) target(%dma_start3A_125 : memref<10240x16xf32, #tpu.memory_space<vmem_shared>>) offsets(%dma_start3A_122 : memref<128xi32, #tpu.memory_space<vmem>>) semaphore(%arg29 : memref<!tpu.dma_semaphore, #tpu.memory_space<semaphore_mem>>) {add = true}
    %dma_start3A_126 = arith.constant 6 : i32
    %dma_start3A_127 = arith.constant 0 : i32
    %dma_start3A_128 = tpu.memref_slice %arg7[%dma_start3A_126, %dma_start3A_127] : memref<80x128xi32, #tpu.memory_space<vmem>> -> memref<1x128xi32, #tpu.memory_space<vmem>>
    %dma_start3A_129 = tpu.memref_squeeze %dma_start3A_128 : memref<1x128xi32, #tpu.memory_space<vmem>> -> memref<128xi32, #tpu.memory_space<vmem>>
    %dma_start3A_130 = arith.constant 0 : i32
    %dma_start3A_131 = arith.constant 0 : i32
    %dma_start3A_132 = tpu.memref_slice %arg10[%dma_start3A_130, %dma_start3A_131] : memref<20480x16xf32, #tpu.memory_space<vmem_shared>> -> memref<20480x16xf32, #tpu.memory_space<vmem_shared>>
    tpu.enqueue_indirect_dma source(%dma_start3A_132 : memref<20480x16xf32, #tpu.memory_space<vmem_shared>>) target(%arg17 : memref<128x16xf32, #tpu.memory_space<vmem>>) offsets(%dma_start3A_129 : memref<128xi32, #tpu.memory_space<vmem>>) semaphore(%arg25 : memref<!tpu.dma_semaphore, #tpu.memory_space<semaphore_mem>>)
    %dma_wait3A_133 = arith.constant 0 : i32
    %dma_wait3A_134 = arith.constant 0 : i32
    %dma_wait3A_135 = tpu.memref_slice %arg10[%dma_wait3A_133, %dma_wait3A_134] : memref<20480x16xf32, #tpu.memory_space<vmem_shared>> -> memref<128x16xf32, #tpu.memory_space<vmem_shared>>
    %dma_wait3A_136 = arith.constant 0 : i32
    %dma_wait3A_137 = arith.constant 0 : i32
    %dma_wait3A_138 = tpu.memref_slice %arg10[%dma_wait3A_136, %dma_wait3A_137] : memref<20480x16xf32, #tpu.memory_space<vmem_shared>> -> memref<128x16xf32, #tpu.memory_space<vmem_shared>>
    tpu.wait_dma2 semaphore(%arg22 : memref<!tpu.dma_semaphore, #tpu.memory_space<semaphore_mem>>) src(%dma_wait3A_138 : memref<128x16xf32, #tpu.memory_space<vmem_shared>>) dst(%arg14 : memref<128x16xf32, #tpu.memory_space<vmem>>)
    %dma_start3A_139 = arith.constant 3 : i32
    %dma_start3A_140 = arith.constant 0 : i32
    %dma_start3A_141 = tpu.memref_slice %arg8[%dma_start3A_139, %dma_start3A_140] : memref<80x128xi32, #tpu.memory_space<vmem>> -> memref<1x128xi32, #tpu.memory_space<vmem>>
    %dma_start3A_142 = tpu.memref_squeeze %dma_start3A_141 : memref<1x128xi32, #tpu.memory_space<vmem>> -> memref<128xi32, #tpu.memory_space<vmem>>
    %dma_start3A_143 = arith.constant 0 : i32
    %dma_start3A_144 = arith.constant 0 : i32
    %dma_start3A_145 = tpu.memref_slice %arg9[%dma_start3A_143, %dma_start3A_144] : memref<10240x16xf32, #tpu.memory_space<vmem_shared>> -> memref<10240x16xf32, #tpu.memory_space<vmem_shared>>
    tpu.enqueue_indirect_dma source(%arg14 : memref<128x16xf32, #tpu.memory_space<vmem>>) target(%dma_start3A_145 : memref<10240x16xf32, #tpu.memory_space<vmem_shared>>) offsets(%dma_start3A_142 : memref<128xi32, #tpu.memory_space<vmem>>) semaphore(%arg30 : memref<!tpu.dma_semaphore, #tpu.memory_space<semaphore_mem>>) {add = true}
    %dma_start3A_146 = arith.constant 7 : i32
    %dma_start3A_147 = arith.constant 0 : i32
    %dma_start3A_148 = tpu.memref_slice %arg7[%dma_start3A_146, %dma_start3A_147] : memref<80x128xi32, #tpu.memory_space<vmem>> -> memref<1x128xi32, #tpu.memory_space<vmem>>
    %dma_start3A_149 = tpu.memref_squeeze %dma_start3A_148 : memref<1x128xi32, #tpu.memory_space<vmem>> -> memref<128xi32, #tpu.memory_space<vmem>>
    %dma_start3A_150 = arith.constant 0 : i32
    %dma_start3A_151 = arith.constant 0 : i32
    %dma_start3A_152 = tpu.memref_slice %arg10[%dma_start3A_150, %dma_start3A_151] : memref<20480x16xf32, #tpu.memory_space<vmem_shared>> -> memref<20480x16xf32, #tpu.memory_space<vmem_shared>>
    tpu.enqueue_indirect_dma source(%dma_start3A_152 : memref<20480x16xf32, #tpu.memory_space<vmem_shared>>) target(%arg18 : memref<128x16xf32, #tpu.memory_space<vmem>>) offsets(%dma_start3A_149 : memref<128xi32, #tpu.memory_space<vmem>>) semaphore(%arg26 : memref<!tpu.dma_semaphore, #tpu.memory_space<semaphore_mem>>)
    %dma_wait3A_153 = arith.constant 0 : i32
    %dma_wait3A_154 = arith.constant 0 : i32
    %dma_wait3A_155 = tpu.memref_slice %arg10[%dma_wait3A_153, %dma_wait3A_154] : memref<20480x16xf32, #tpu.memory_space<vmem_shared>> -> memref<128x16xf32, #tpu.memory_space<vmem_shared>>
    %dma_wait3A_156 = arith.constant 0 : i32
    %dma_wait3A_157 = arith.constant 0 : i32
    %dma_wait3A_158 = tpu.memref_slice %arg10[%dma_wait3A_156, %dma_wait3A_157] : memref<20480x16xf32, #tpu.memory_space<vmem_shared>> -> memref<128x16xf32, #tpu.memory_space<vmem_shared>>
    tpu.wait_dma2 semaphore(%arg23 : memref<!tpu.dma_semaphore, #tpu.memory_space<semaphore_mem>>) src(%dma_wait3A_158 : memref<128x16xf32, #tpu.memory_space<vmem_shared>>) dst(%arg15 : memref<128x16xf32, #tpu.memory_space<vmem>>)
    %dma_start3A_159 = arith.constant 4 : i32
    %dma_start3A_160 = arith.constant 0 : i32
    %dma_start3A_161 = tpu.memref_slice %arg8[%dma_start3A_159, %dma_start3A_160] : memref<80x128xi32, #tpu.memory_space<vmem>> -> memref<1x128xi32, #tpu.memory_space<vmem>>
    %dma_start3A_162 = tpu.memref_squeeze %dma_start3A_161 : memref<1x128xi32, #tpu.memory_space<vmem>> -> memref<128xi32, #tpu.memory_space<vmem>>
    %dma_start3A_163 = arith.constant 0 : i32
    %dma_start3A_164 = arith.constant 0 : i32
    %dma_start3A_165 = tpu.memref_slice %arg9[%dma_start3A_163, %dma_start3A_164] : memref<10240x16xf32, #tpu.memory_space<vmem_shared>> -> memref<10240x16xf32, #tpu.memory_space<vmem_shared>>
    tpu.enqueue_indirect_dma source(%arg15 : memref<128x16xf32, #tpu.memory_space<vmem>>) target(%dma_start3A_165 : memref<10240x16xf32, #tpu.memory_space<vmem_shared>>) offsets(%dma_start3A_162 : memref<128xi32, #tpu.memory_space<vmem>>) semaphore(%arg31 : memref<!tpu.dma_semaphore, #tpu.memory_space<semaphore_mem>>) {add = true}
    %dma_wait3A_166 = arith.constant 0 : i32
    %dma_wait3A_167 = arith.constant 0 : i32
    %dma_wait3A_168 = tpu.memref_slice %arg8[%dma_wait3A_166, %dma_wait3A_167] : memref<80x128xi32, #tpu.memory_space<vmem>> -> memref<1x128xi32, #tpu.memory_space<vmem>>
    %dma_wait3A_169 = tpu.memref_squeeze %dma_wait3A_168 : memref<1x128xi32, #tpu.memory_space<vmem>> -> memref<128xi32, #tpu.memory_space<vmem>>
    %dma_wait3A_170 = arith.constant 0 : i32
    %dma_wait3A_171 = arith.constant 0 : i32
    %dma_wait3A_172 = tpu.memref_slice %arg9[%dma_wait3A_170, %dma_wait3A_171] : memref<10240x16xf32, #tpu.memory_space<vmem_shared>> -> memref<10240x16xf32, #tpu.memory_space<vmem_shared>>
    tpu.wait_indirect_dma semaphore(%arg27 : memref<!tpu.dma_semaphore, #tpu.memory_space<semaphore_mem>>) src(%arg11 : memref<128x16xf32, #tpu.memory_space<vmem>>) dst(%dma_wait3A_172 : memref<10240x16xf32, #tpu.memory_space<vmem_shared>>)
    %dma_start3A_173 = arith.constant 8 : i32
    %dma_start3A_174 = arith.constant 0 : i32
    %dma_start3A_175 = tpu.memref_slice %arg7[%dma_start3A_173, %dma_start3A_174] : memref<80x128xi32, #tpu.memory_space<vmem>> -> memref<1x128xi32, #tpu.memory_space<vmem>>
    %dma_start3A_176 = tpu.memref_squeeze %dma_start3A_175 : memref<1x128xi32, #tpu.memory_space<vmem>> -> memref<128xi32, #tpu.memory_space<vmem>>
    %dma_start3A_177 = arith.constant 0 : i32
    %dma_start3A_178 = arith.constant 0 : i32
    %dma_start3A_179 = tpu.memref_slice %arg10[%dma_start3A_177, %dma_start3A_178] : memref<20480x16xf32, #tpu.memory_space<vmem_shared>> -> memref<20480x16xf32, #tpu.memory_space<vmem_shared>>
    tpu.enqueue_indirect_dma source(%dma_start3A_179 : memref<20480x16xf32, #tpu.memory_space<vmem_shared>>) target(%arg11 : memref<128x16xf32, #tpu.memory_space<vmem>>) offsets(%dma_start3A_176 : memref<128xi32, #tpu.memory_space<vmem>>) semaphore(%arg19 : memref<!tpu.dma_semaphore, #tpu.memory_space<semaphore_mem>>)
    %dma_wait3A_180 = arith.constant 0 : i32
    %dma_wait3A_181 = arith.constant 0 : i32
    %dma_wait3A_182 = tpu.memref_slice %arg10[%dma_wait3A_180, %dma_wait3A_181] : memref<20480x16xf32, #tpu.memory_space<vmem_shared>> -> memref<128x16xf32, #tpu.memory_space<vmem_shared>>
    %dma_wait3A_183 = arith.constant 0 : i32
    %dma_wait3A_184 = arith.constant 0 : i32
    %dma_wait3A_185 = tpu.memref_slice %arg10[%dma_wait3A_183, %dma_wait3A_184] : memref<20480x16xf32, #tpu.memory_space<vmem_shared>> -> memref<128x16xf32, #tpu.memory_space<vmem_shared>>
    tpu.wait_dma2 semaphore(%arg24 : memref<!tpu.dma_semaphore, #tpu.memory_space<semaphore_mem>>) src(%dma_wait3A_185 : memref<128x16xf32, #tpu.memory_space<vmem_shared>>) dst(%arg16 : memref<128x16xf32, #tpu.memory_space<vmem>>)
    %dma_start3A_186 = arith.constant 5 : i32
    %dma_start3A_187 = arith.constant 0 : i32
    %dma_start3A_188 = tpu.memref_slice %arg8[%dma_start3A_186, %dma_start3A_187] : memref<80x128xi32, #tpu.memory_space<vmem>> -> memref<1x128xi32, #tpu.memory_space<vmem>>
    %dma_start3A_189 = tpu.memref_squeeze %dma_start3A_188 : memref<1x128xi32, #tpu.memory_space<vmem>> -> memref<128xi32, #tpu.memory_space<vmem>>
    %dma_start3A_190 = arith.constant 0 : i32
    %dma_start3A_191 = arith.constant 0 : i32
    %dma_start3A_192 = tpu.memref_slice %arg9[%dma_start3A_190, %dma_start3A_191] : memref<10240x16xf32, #tpu.memory_space<vmem_shared>> -> memref<10240x16xf32, #tpu.memory_space<vmem_shared>>
    tpu.enqueue_indirect_dma source(%arg16 : memref<128x16xf32, #tpu.memory_space<vmem>>) target(%dma_start3A_192 : memref<10240x16xf32, #tpu.memory_space<vmem_shared>>) offsets(%dma_start3A_189 : memref<128xi32, #tpu.memory_space<vmem>>) semaphore(%arg32 : memref<!tpu.dma_semaphore, #tpu.memory_space<semaphore_mem>>) {add = true}
    %dma_wait3A_193 = arith.constant 0 : i32
    %dma_wait3A_194 = arith.constant 0 : i32
    %dma_wait3A_195 = tpu.memref_slice %arg8[%dma_wait3A_193, %dma_wait3A_194] : memref<80x128xi32, #tpu.memory_space<vmem>> -> memref<1x128xi32, #tpu.memory_space<vmem>>
    %dma_wait3A_196 = tpu.memref_squeeze %dma_wait3A_195 : memref<1x128xi32, #tpu.memory_space<vmem>> -> memref<128xi32, #tpu.memory_space<vmem>>
    %dma_wait3A_197 = arith.constant 0 : i32
    %dma_wait3A_198 = arith.constant 0 : i32
    %dma_wait3A_199 = tpu.memref_slice %arg9[%dma_wait3A_197, %dma_wait3A_198] : memref<10240x16xf32, #tpu.memory_space<vmem_shared>> -> memref<10240x16xf32, #tpu.memory_space<vmem_shared>>
    tpu.wait_indirect_dma semaphore(%arg28 : memref<!tpu.dma_semaphore, #tpu.memory_space<semaphore_mem>>) src(%arg12 : memref<128x16xf32, #tpu.memory_space<vmem>>) dst(%dma_wait3A_199 : memref<10240x16xf32, #tpu.memory_space<vmem_shared>>)
    %dma_start3A_200 = arith.constant 9 : i32
    %dma_start3A_201 = arith.constant 0 : i32
    %dma_start3A_202 = tpu.memref_slice %arg7[%dma_start3A_200, %dma_start3A_201] : memref<80x128xi32, #tpu.memory_space<vmem>> -> memref<1x128xi32, #tpu.memory_space<vmem>>
    %dma_start3A_203 = tpu.memref_squeeze %dma_start3A_202 : memref<1x128xi32, #tpu.memory_space<vmem>> -> memref<128xi32, #tpu.memory_space<vmem>>
    %dma_start3A_204 = arith.constant 0 : i32
    %dma_start3A_205 = arith.constant 0 : i32
    %dma_start3A_206 = tpu.memref_slice %arg10[%dma_start3A_204, %dma_start3A_205] : memref<20480x16xf32, #tpu.memory_space<vmem_shared>> -> memref<20480x16xf32, #tpu.memory_space<vmem_shared>>
    tpu.enqueue_indirect_dma source(%dma_start3A_206 : memref<20480x16xf32, #tpu.memory_space<vmem_shared>>) target(%arg12 : memref<128x16xf32, #tpu.memory_space<vmem>>) offsets(%dma_start3A_203 : memref<128xi32, #tpu.memory_space<vmem>>) semaphore(%arg20 : memref<!tpu.dma_semaphore, #tpu.memory_space<semaphore_mem>>)
    %dma_wait3A_207 = arith.constant 0 : i32
    %dma_wait3A_208 = arith.constant 0 : i32
    %dma_wait3A_209 = tpu.memref_slice %arg10[%dma_wait3A_207, %dma_wait3A_208] : memref<20480x16xf32, #tpu.memory_space<vmem_shared>> -> memref<128x16xf32, #tpu.memory_space<vmem_shared>>
    %dma_wait3A_210 = arith.constant 0 : i32
    %dma_wait3A_211 = arith.constant 0 : i32
    %dma_wait3A_212 = tpu.memref_slice %arg10[%dma_wait3A_210, %dma_wait3A_211] : memref<20480x16xf32, #tpu.memory_space<vmem_shared>> -> memref<128x16xf32, #tpu.memory_space<vmem_shared>>
    tpu.wait_dma2 semaphore(%arg25 : memref<!tpu.dma_semaphore, #tpu.memory_space<semaphore_mem>>) src(%dma_wait3A_212 : memref<128x16xf32, #tpu.memory_space<vmem_shared>>) dst(%arg17 : memref<128x16xf32, #tpu.memory_space<vmem>>)
    %dma_start3A_213 = arith.constant 6 : i32
    %dma_start3A_214 = arith.constant 0 : i32
    %dma_start3A_215 = tpu.memref_slice %arg8[%dma_start3A_213, %dma_start3A_214] : memref<80x128xi32, #tpu.memory_space<vmem>> -> memref<1x128xi32, #tpu.memory_space<vmem>>
    %dma_start3A_216 = tpu.memref_squeeze %dma_start3A_215 : memref<1x128xi32, #tpu.memory_space<vmem>> -> memref<128xi32, #tpu.memory_space<vmem>>
    %dma_start3A_217 = arith.constant 0 : i32
    %dma_start3A_218 = arith.constant 0 : i32
    %dma_start3A_219 = tpu.memref_slice %arg9[%dma_start3A_217, %dma_start3A_218] : memref<10240x16xf32, #tpu.memory_space<vmem_shared>> -> memref<10240x16xf32, #tpu.memory_space<vmem_shared>>
    tpu.enqueue_indirect_dma source(%arg17 : memref<128x16xf32, #tpu.memory_space<vmem>>) target(%dma_start3A_219 : memref<10240x16xf32, #tpu.memory_space<vmem_shared>>) offsets(%dma_start3A_216 : memref<128xi32, #tpu.memory_space<vmem>>) semaphore(%arg33 : memref<!tpu.dma_semaphore, #tpu.memory_space<semaphore_mem>>) {add = true}
    %dma_wait3A_220 = arith.constant 0 : i32
    %dma_wait3A_221 = arith.constant 0 : i32
    %dma_wait3A_222 = tpu.memref_slice %arg8[%dma_wait3A_220, %dma_wait3A_221] : memref<80x128xi32, #tpu.memory_space<vmem>> -> memref<1x128xi32, #tpu.memory_space<vmem>>
    %dma_wait3A_223 = tpu.memref_squeeze %dma_wait3A_222 : memref<1x128xi32, #tpu.memory_space<vmem>> -> memref<128xi32, #tpu.memory_space<vmem>>
    %dma_wait3A_224 = arith.constant 0 : i32
    %dma_wait3A_225 = arith.constant 0 : i32
    %dma_wait3A_226 = tpu.memref_slice %arg9[%dma_wait3A_224, %dma_wait3A_225] : memref<10240x16xf32, #tpu.memory_space<vmem_shared>> -> memref<10240x16xf32, #tpu.memory_space<vmem_shared>>
    tpu.wait_indirect_dma semaphore(%arg29 : memref<!tpu.dma_semaphore, #tpu.memory_space<semaphore_mem>>) src(%arg13 : memref<128x16xf32, #tpu.memory_space<vmem>>) dst(%dma_wait3A_226 : memref<10240x16xf32, #tpu.memory_space<vmem_shared>>)
    %dma_start3A_227 = arith.constant 10 : i32
    %dma_start3A_228 = arith.constant 0 : i32
    %dma_start3A_229 = tpu.memref_slice %arg7[%dma_start3A_227, %dma_start3A_228] : memref<80x128xi32, #tpu.memory_space<vmem>> -> memref<1x128xi32, #tpu.memory_space<vmem>>
    %dma_start3A_230 = tpu.memref_squeeze %dma_start3A_229 : memref<1x128xi32, #tpu.memory_space<vmem>> -> memref<128xi32, #tpu.memory_space<vmem>>
    %dma_start3A_231 = arith.constant 0 : i32
    %dma_start3A_232 = arith.constant 0 : i32
    %dma_start3A_233 = tpu.memref_slice %arg10[%dma_start3A_231, %dma_start3A_232] : memref<20480x16xf32, #tpu.memory_space<vmem_shared>> -> memref<20480x16xf32, #tpu.memory_space<vmem_shared>>
    tpu.enqueue_indirect_dma source(%dma_start3A_233 : memref<20480x16xf32, #tpu.memory_space<vmem_shared>>) target(%arg13 : memref<128x16xf32, #tpu.memory_space<vmem>>) offsets(%dma_start3A_230 : memref<128xi32, #tpu.memory_space<vmem>>) semaphore(%arg21 : memref<!tpu.dma_semaphore, #tpu.memory_space<semaphore_mem>>)
    %dma_wait3A_234 = arith.constant 0 : i32
    %dma_wait3A_235 = arith.constant 0 : i32
    %dma_wait3A_236 = tpu.memref_slice %arg10[%dma_wait3A_234, %dma_wait3A_235] : memref<20480x16xf32, #tpu.memory_space<vmem_shared>> -> memref<128x16xf32, #tpu.memory_space<vmem_shared>>
    %dma_wait3A_237 = arith.constant 0 : i32
    %dma_wait3A_238 = arith.constant 0 : i32
    %dma_wait3A_239 = tpu.memref_slice %arg10[%dma_wait3A_237, %dma_wait3A_238] : memref<20480x16xf32, #tpu.memory_space<vmem_shared>> -> memref<128x16xf32, #tpu.memory_space<vmem_shared>>
    tpu.wait_dma2 semaphore(%arg26 : memref<!tpu.dma_semaphore, #tpu.memory_space<semaphore_mem>>) src(%dma_wait3A_239 : memref<128x16xf32, #tpu.memory_space<vmem_shared>>) dst(%arg18 : memref<128x16xf32, #tpu.memory_space<vmem>>)
    %dma_start3A_240 = arith.constant 7 : i32
    %dma_start3A_241 = arith.constant 0 : i32
    %dma_start3A_242 = tpu.memref_slice %arg8[%dma_start3A_240, %dma_start3A_241] : memref<80x128xi32, #tpu.memory_space<vmem>> -> memref<1x128xi32, #tpu.memory_space<vmem>>
    %dma_start3A_243 = tpu.memref_squeeze %dma_start3A_242 : memref<1x128xi32, #tpu.memory_space<vmem>> -> memref<128xi32, #tpu.memory_space<vmem>>
    %dma_start3A_244 = arith.constant 0 : i32
    %dma_start3A_245 = arith.constant 0 : i32
    %dma_start3A_246 = tpu.memref_slice %arg9[%dma_start3A_244, %dma_start3A_245] : memref<10240x16xf32, #tpu.memory_space<vmem_shared>> -> memref<10240x16xf32, #tpu.memory_space<vmem_shared>>
    tpu.enqueue_indirect_dma source(%arg18 : memref<128x16xf32, #tpu.memory_space<vmem>>) target(%dma_start3A_246 : memref<10240x16xf32, #tpu.memory_space<vmem_shared>>) offsets(%dma_start3A_243 : memref<128xi32, #tpu.memory_space<vmem>>) semaphore(%arg34 : memref<!tpu.dma_semaphore, #tpu.memory_space<semaphore_mem>>) {add = true}
    %dma_wait3A_247 = arith.constant 0 : i32
    %dma_wait3A_248 = arith.constant 0 : i32
    %dma_wait3A_249 = tpu.memref_slice %arg8[%dma_wait3A_247, %dma_wait3A_248] : memref<80x128xi32, #tpu.memory_space<vmem>> -> memref<1x128xi32, #tpu.memory_space<vmem>>
    %dma_wait3A_250 = tpu.memref_squeeze %dma_wait3A_249 : memref<1x128xi32, #tpu.memory_space<vmem>> -> memref<128xi32, #tpu.memory_space<vmem>>
    %dma_wait3A_251 = arith.constant 0 : i32
    %dma_wait3A_252 = arith.constant 0 : i32
    %dma_wait3A_253 = tpu.memref_slice %arg9[%dma_wait3A_251, %dma_wait3A_252] : memref<10240x16xf32, #tpu.memory_space<vmem_shared>> -> memref<10240x16xf32, #tpu.memory_space<vmem_shared>>
    tpu.wait_indirect_dma semaphore(%arg30 : memref<!tpu.dma_semaphore, #tpu.memory_space<semaphore_mem>>) src(%arg14 : memref<128x16xf32, #tpu.memory_space<vmem>>) dst(%dma_wait3A_253 : memref<10240x16xf32, #tpu.memory_space<vmem_shared>>)
    %dma_start3A_254 = arith.constant 11 : i32
    %dma_start3A_255 = arith.constant 0 : i32
    %dma_start3A_256 = tpu.memref_slice %arg7[%dma_start3A_254, %dma_start3A_255] : memref<80x128xi32, #tpu.memory_space<vmem>> -> memref<1x128xi32, #tpu.memory_space<vmem>>
    %dma_start3A_257 = tpu.memref_squeeze %dma_start3A_256 : memref<1x128xi32, #tpu.memory_space<vmem>> -> memref<128xi32, #tpu.memory_space<vmem>>
    %dma_start3A_258 = arith.constant 0 : i32
    %dma_start3A_259 = arith.constant 0 : i32
    %dma_start3A_260 = tpu.memref_slice %arg10[%dma_start3A_258, %dma_start3A_259] : memref<20480x16xf32, #tpu.memory_space<vmem_shared>> -> memref<20480x16xf32, #tpu.memory_space<vmem_shared>>
    tpu.enqueue_indirect_dma source(%dma_start3A_260 : memref<20480x16xf32, #tpu.memory_space<vmem_shared>>) target(%arg14 : memref<128x16xf32, #tpu.memory_space<vmem>>) offsets(%dma_start3A_257 : memref<128xi32, #tpu.memory_space<vmem>>) semaphore(%arg22 : memref<!tpu.dma_semaphore, #tpu.memory_space<semaphore_mem>>)
    %scan3A = arith.constant 0 : i32
    %scan3A_261 = arith.constant 1 : i32
    %scan3A_262 = arith.constant 9 : i32
    %scan3A_263 = arith.addi %scan3A_261, %scan3A_262 : i32
    %scan3A_264 = arith.constant 1 : i32
    scf.for %scan3A_327 = %scan3A_261 to %scan3A_263 step %scan3A_264  : i32 {
      %mul3A_328 = arith.constant 8 : i32
      %mul3A_329 = arith.muli %scan3A_327, %mul3A_328 : i32
      %add3A_330 = arith.constant 0 : i32
      %add3A_331 = arith.addi %mul3A_329, %add3A_330 : i32
      %dma_wait3A_332 = arith.constant 0 : i32
      %dma_wait3A_333 = arith.constant 0 : i32
      %dma_wait3A_334 = tpu.memref_slice %arg10[%dma_wait3A_332, %dma_wait3A_333] : memref<20480x16xf32, #tpu.memory_space<vmem_shared>> -> memref<128x16xf32, #tpu.memory_space<vmem_shared>>
      %dma_wait3A_335 = arith.constant 0 : i32
      %dma_wait3A_336 = arith.constant 0 : i32
      %dma_wait3A_337 = tpu.memref_slice %arg10[%dma_wait3A_335, %dma_wait3A_336] : memref<20480x16xf32, #tpu.memory_space<vmem_shared>> -> memref<128x16xf32, #tpu.memory_space<vmem_shared>>
      tpu.wait_dma2 semaphore(%arg19 : memref<!tpu.dma_semaphore, #tpu.memory_space<semaphore_mem>>) src(%dma_wait3A_337 : memref<128x16xf32, #tpu.memory_space<vmem_shared>>) dst(%arg11 : memref<128x16xf32, #tpu.memory_space<vmem>>)
      %dma_start3A_338 = arith.constant 0 : i32
      %dma_start3A_339 = tpu.memref_slice %arg8[%add3A_331, %dma_start3A_338] : memref<80x128xi32, #tpu.memory_space<vmem>> -> memref<1x128xi32, #tpu.memory_space<vmem>>
      %dma_start3A_340 = tpu.memref_squeeze %dma_start3A_339 : memref<1x128xi32, #tpu.memory_space<vmem>> -> memref<128xi32, #tpu.memory_space<vmem>>
      %dma_start3A_341 = arith.constant 0 : i32
      %dma_start3A_342 = arith.constant 0 : i32
      %dma_start3A_343 = tpu.memref_slice %arg9[%dma_start3A_341, %dma_start3A_342] : memref<10240x16xf32, #tpu.memory_space<vmem_shared>> -> memref<10240x16xf32, #tpu.memory_space<vmem_shared>>
      tpu.enqueue_indirect_dma source(%arg11 : memref<128x16xf32, #tpu.memory_space<vmem>>) target(%dma_start3A_343 : memref<10240x16xf32, #tpu.memory_space<vmem_shared>>) offsets(%dma_start3A_340 : memref<128xi32, #tpu.memory_space<vmem>>) semaphore(%arg27 : memref<!tpu.dma_semaphore, #tpu.memory_space<semaphore_mem>>) {add = true}
      %add3A_344 = arith.constant 4 : i32
      %add3A_345 = arith.addi %add3A_331, %add3A_344 : i32
      %lt3A_346 = arith.constant 80 : i32
      %lt3A_347 = arith.cmpi slt, %add3A_345, %lt3A_346 : i32
      %convert_element_type3A = arith.extui %lt3A_347 : i1 to i32
      %cond3A = arith.constant 0 : i32
      %cond3A_348 = arith.cmpi ne, %convert_element_type3A, %cond3A : i32
      scf.if %cond3A_348 {
        %dma_wait3A_510 = arith.constant 0 : i32
        %dma_wait3A_511 = arith.constant 0 : i32
        %dma_wait3A_512 = tpu.memref_slice %arg8[%dma_wait3A_510, %dma_wait3A_511] : memref<80x128xi32, #tpu.memory_space<vmem>> -> memref<1x128xi32, #tpu.memory_space<vmem>>
        %dma_wait3A_513 = tpu.memref_squeeze %dma_wait3A_512 : memref<1x128xi32, #tpu.memory_space<vmem>> -> memref<128xi32, #tpu.memory_space<vmem>>
        %dma_wait3A_514 = arith.constant 0 : i32
        %dma_wait3A_515 = arith.constant 0 : i32
        %dma_wait3A_516 = tpu.memref_slice %arg9[%dma_wait3A_514, %dma_wait3A_515] : memref<10240x16xf32, #tpu.memory_space<vmem_shared>> -> memref<10240x16xf32, #tpu.memory_space<vmem_shared>>
        tpu.wait_indirect_dma semaphore(%arg31 : memref<!tpu.dma_semaphore, #tpu.memory_space<semaphore_mem>>) src(%arg15 : memref<128x16xf32, #tpu.memory_space<vmem>>) dst(%dma_wait3A_516 : memref<10240x16xf32, #tpu.memory_space<vmem_shared>>)
        %dma_start3A_517 = arith.constant 0 : i32
        %dma_start3A_518 = tpu.memref_slice %arg7[%add3A_345, %dma_start3A_517] : memref<80x128xi32, #tpu.memory_space<vmem>> -> memref<1x128xi32, #tpu.memory_space<vmem>>
        %dma_start3A_519 = tpu.memref_squeeze %dma_start3A_518 : memref<1x128xi32, #tpu.memory_space<vmem>> -> memref<128xi32, #tpu.memory_space<vmem>>
        %dma_start3A_520 = arith.constant 0 : i32
        %dma_start3A_521 = arith.constant 0 : i32
        %dma_start3A_522 = tpu.memref_slice %arg10[%dma_start3A_520, %dma_start3A_521] : memref<20480x16xf32, #tpu.memory_space<vmem_shared>> -> memref<20480x16xf32, #tpu.memory_space<vmem_shared>>
        tpu.enqueue_indirect_dma source(%dma_start3A_522 : memref<20480x16xf32, #tpu.memory_space<vmem_shared>>) target(%arg15 : memref<128x16xf32, #tpu.memory_space<vmem>>) offsets(%dma_start3A_519 : memref<128xi32, #tpu.memory_space<vmem>>) semaphore(%arg23 : memref<!tpu.dma_semaphore, #tpu.memory_space<semaphore_mem>>)
      } else {
      }
      %mul3A_349 = arith.constant 8 : i32
      %mul3A_350 = arith.muli %scan3A_327, %mul3A_349 : i32
      %add3A_351 = arith.constant 1 : i32
      %add3A_352 = arith.addi %mul3A_350, %add3A_351 : i32
      %dma_wait3A_353 = arith.constant 0 : i32
      %dma_wait3A_354 = arith.constant 0 : i32
      %dma_wait3A_355 = tpu.memref_slice %arg10[%dma_wait3A_353, %dma_wait3A_354] : memref<20480x16xf32, #tpu.memory_space<vmem_shared>> -> memref<128x16xf32, #tpu.memory_space<vmem_shared>>
      %dma_wait3A_356 = arith.constant 0 : i32
      %dma_wait3A_357 = arith.constant 0 : i32
      %dma_wait3A_358 = tpu.memref_slice %arg10[%dma_wait3A_356, %dma_wait3A_357] : memref<20480x16xf32, #tpu.memory_space<vmem_shared>> -> memref<128x16xf32, #tpu.memory_space<vmem_shared>>
      tpu.wait_dma2 semaphore(%arg20 : memref<!tpu.dma_semaphore, #tpu.memory_space<semaphore_mem>>) src(%dma_wait3A_358 : memref<128x16xf32, #tpu.memory_space<vmem_shared>>) dst(%arg12 : memref<128x16xf32, #tpu.memory_space<vmem>>)
      %dma_start3A_359 = arith.constant 0 : i32
      %dma_start3A_360 = tpu.memref_slice %arg8[%add3A_352, %dma_start3A_359] : memref<80x128xi32, #tpu.memory_space<vmem>> -> memref<1x128xi32, #tpu.memory_space<vmem>>
      %dma_start3A_361 = tpu.memref_squeeze %dma_start3A_360 : memref<1x128xi32, #tpu.memory_space<vmem>> -> memref<128xi32, #tpu.memory_space<vmem>>
      %dma_start3A_362 = arith.constant 0 : i32
      %dma_start3A_363 = arith.constant 0 : i32
      %dma_start3A_364 = tpu.memref_slice %arg9[%dma_start3A_362, %dma_start3A_363] : memref<10240x16xf32, #tpu.memory_space<vmem_shared>> -> memref<10240x16xf32, #tpu.memory_space<vmem_shared>>
      tpu.enqueue_indirect_dma source(%arg12 : memref<128x16xf32, #tpu.memory_space<vmem>>) target(%dma_start3A_364 : memref<10240x16xf32, #tpu.memory_space<vmem_shared>>) offsets(%dma_start3A_361 : memref<128xi32, #tpu.memory_space<vmem>>) semaphore(%arg28 : memref<!tpu.dma_semaphore, #tpu.memory_space<semaphore_mem>>) {add = true}
      %add3A_365 = arith.constant 4 : i32
      %add3A_366 = arith.addi %add3A_352, %add3A_365 : i32
      %lt3A_367 = arith.constant 80 : i32
      %lt3A_368 = arith.cmpi slt, %add3A_366, %lt3A_367 : i32
      %convert_element_type3A_369 = arith.extui %lt3A_368 : i1 to i32
      %cond3A_370 = arith.constant 0 : i32
      %cond3A_371 = arith.cmpi ne, %convert_element_type3A_369, %cond3A_370 : i32
      scf.if %cond3A_371 {
        %dma_wait3A_510 = arith.constant 0 : i32
        %dma_wait3A_511 = arith.constant 0 : i32
        %dma_wait3A_512 = tpu.memref_slice %arg8[%dma_wait3A_510, %dma_wait3A_511] : memref<80x128xi32, #tpu.memory_space<vmem>> -> memref<1x128xi32, #tpu.memory_space<vmem>>
        %dma_wait3A_513 = tpu.memref_squeeze %dma_wait3A_512 : memref<1x128xi32, #tpu.memory_space<vmem>> -> memref<128xi32, #tpu.memory_space<vmem>>
        %dma_wait3A_514 = arith.constant 0 : i32
        %dma_wait3A_515 = arith.constant 0 : i32
        %dma_wait3A_516 = tpu.memref_slice %arg9[%dma_wait3A_514, %dma_wait3A_515] : memref<10240x16xf32, #tpu.memory_space<vmem_shared>> -> memref<10240x16xf32, #tpu.memory_space<vmem_shared>>
        tpu.wait_indirect_dma semaphore(%arg32 : memref<!tpu.dma_semaphore, #tpu.memory_space<semaphore_mem>>) src(%arg16 : memref<128x16xf32, #tpu.memory_space<vmem>>) dst(%dma_wait3A_516 : memref<10240x16xf32, #tpu.memory_space<vmem_shared>>)
        %dma_start3A_517 = arith.constant 0 : i32
        %dma_start3A_518 = tpu.memref_slice %arg7[%add3A_366, %dma_start3A_517] : memref<80x128xi32, #tpu.memory_space<vmem>> -> memref<1x128xi32, #tpu.memory_space<vmem>>
        %dma_start3A_519 = tpu.memref_squeeze %dma_start3A_518 : memref<1x128xi32, #tpu.memory_space<vmem>> -> memref<128xi32, #tpu.memory_space<vmem>>
        %dma_start3A_520 = arith.constant 0 : i32
        %dma_start3A_521 = arith.constant 0 : i32
        %dma_start3A_522 = tpu.memref_slice %arg10[%dma_start3A_520, %dma_start3A_521] : memref<20480x16xf32, #tpu.memory_space<vmem_shared>> -> memref<20480x16xf32, #tpu.memory_space<vmem_shared>>
        tpu.enqueue_indirect_dma source(%dma_start3A_522 : memref<20480x16xf32, #tpu.memory_space<vmem_shared>>) target(%arg16 : memref<128x16xf32, #tpu.memory_space<vmem>>) offsets(%dma_start3A_519 : memref<128xi32, #tpu.memory_space<vmem>>) semaphore(%arg24 : memref<!tpu.dma_semaphore, #tpu.memory_space<semaphore_mem>>)
      } else {
      }
      %mul3A_372 = arith.constant 8 : i32
      %mul3A_373 = arith.muli %scan3A_327, %mul3A_372 : i32
      %add3A_374 = arith.constant 2 : i32
      %add3A_375 = arith.addi %mul3A_373, %add3A_374 : i32
      %dma_wait3A_376 = arith.constant 0 : i32
      %dma_wait3A_377 = arith.constant 0 : i32
      %dma_wait3A_378 = tpu.memref_slice %arg10[%dma_wait3A_376, %dma_wait3A_377] : memref<20480x16xf32, #tpu.memory_space<vmem_shared>> -> memref<128x16xf32, #tpu.memory_space<vmem_shared>>
      %dma_wait3A_379 = arith.constant 0 : i32
      %dma_wait3A_380 = arith.constant 0 : i32
      %dma_wait3A_381 = tpu.memref_slice %arg10[%dma_wait3A_379, %dma_wait3A_380] : memref<20480x16xf32, #tpu.memory_space<vmem_shared>> -> memref<128x16xf32, #tpu.memory_space<vmem_shared>>
      tpu.wait_dma2 semaphore(%arg21 : memref<!tpu.dma_semaphore, #tpu.memory_space<semaphore_mem>>) src(%dma_wait3A_381 : memref<128x16xf32, #tpu.memory_space<vmem_shared>>) dst(%arg13 : memref<128x16xf32, #tpu.memory_space<vmem>>)
      %dma_start3A_382 = arith.constant 0 : i32
      %dma_start3A_383 = tpu.memref_slice %arg8[%add3A_375, %dma_start3A_382] : memref<80x128xi32, #tpu.memory_space<vmem>> -> memref<1x128xi32, #tpu.memory_space<vmem>>
      %dma_start3A_384 = tpu.memref_squeeze %dma_start3A_383 : memref<1x128xi32, #tpu.memory_space<vmem>> -> memref<128xi32, #tpu.memory_space<vmem>>
      %dma_start3A_385 = arith.constant 0 : i32
      %dma_start3A_386 = arith.constant 0 : i32
      %dma_start3A_387 = tpu.memref_slice %arg9[%dma_start3A_385, %dma_start3A_386] : memref<10240x16xf32, #tpu.memory_space<vmem_shared>> -> memref<10240x16xf32, #tpu.memory_space<vmem_shared>>
      tpu.enqueue_indirect_dma source(%arg13 : memref<128x16xf32, #tpu.memory_space<vmem>>) target(%dma_start3A_387 : memref<10240x16xf32, #tpu.memory_space<vmem_shared>>) offsets(%dma_start3A_384 : memref<128xi32, #tpu.memory_space<vmem>>) semaphore(%arg29 : memref<!tpu.dma_semaphore, #tpu.memory_space<semaphore_mem>>) {add = true}
      %add3A_388 = arith.constant 4 : i32
      %add3A_389 = arith.addi %add3A_375, %add3A_388 : i32
      %lt3A_390 = arith.constant 80 : i32
      %lt3A_391 = arith.cmpi slt, %add3A_389, %lt3A_390 : i32
      %convert_element_type3A_392 = arith.extui %lt3A_391 : i1 to i32
      %cond3A_393 = arith.constant 0 : i32
      %cond3A_394 = arith.cmpi ne, %convert_element_type3A_392, %cond3A_393 : i32
      scf.if %cond3A_394 {
        %dma_wait3A_510 = arith.constant 0 : i32
        %dma_wait3A_511 = arith.constant 0 : i32
        %dma_wait3A_512 = tpu.memref_slice %arg8[%dma_wait3A_510, %dma_wait3A_511] : memref<80x128xi32, #tpu.memory_space<vmem>> -> memref<1x128xi32, #tpu.memory_space<vmem>>
        %dma_wait3A_513 = tpu.memref_squeeze %dma_wait3A_512 : memref<1x128xi32, #tpu.memory_space<vmem>> -> memref<128xi32, #tpu.memory_space<vmem>>
        %dma_wait3A_514 = arith.constant 0 : i32
        %dma_wait3A_515 = arith.constant 0 : i32
        %dma_wait3A_516 = tpu.memref_slice %arg9[%dma_wait3A_514, %dma_wait3A_515] : memref<10240x16xf32, #tpu.memory_space<vmem_shared>> -> memref<10240x16xf32, #tpu.memory_space<vmem_shared>>
        tpu.wait_indirect_dma semaphore(%arg33 : memref<!tpu.dma_semaphore, #tpu.memory_space<semaphore_mem>>) src(%arg17 : memref<128x16xf32, #tpu.memory_space<vmem>>) dst(%dma_wait3A_516 : memref<10240x16xf32, #tpu.memory_space<vmem_shared>>)
        %dma_start3A_517 = arith.constant 0 : i32
        %dma_start3A_518 = tpu.memref_slice %arg7[%add3A_389, %dma_start3A_517] : memref<80x128xi32, #tpu.memory_space<vmem>> -> memref<1x128xi32, #tpu.memory_space<vmem>>
        %dma_start3A_519 = tpu.memref_squeeze %dma_start3A_518 : memref<1x128xi32, #tpu.memory_space<vmem>> -> memref<128xi32, #tpu.memory_space<vmem>>
        %dma_start3A_520 = arith.constant 0 : i32
        %dma_start3A_521 = arith.constant 0 : i32
        %dma_start3A_522 = tpu.memref_slice %arg10[%dma_start3A_520, %dma_start3A_521] : memref<20480x16xf32, #tpu.memory_space<vmem_shared>> -> memref<20480x16xf32, #tpu.memory_space<vmem_shared>>
        tpu.enqueue_indirect_dma source(%dma_start3A_522 : memref<20480x16xf32, #tpu.memory_space<vmem_shared>>) target(%arg17 : memref<128x16xf32, #tpu.memory_space<vmem>>) offsets(%dma_start3A_519 : memref<128xi32, #tpu.memory_space<vmem>>) semaphore(%arg25 : memref<!tpu.dma_semaphore, #tpu.memory_space<semaphore_mem>>)
      } else {
      }
      %mul3A_395 = arith.constant 8 : i32
      %mul3A_396 = arith.muli %scan3A_327, %mul3A_395 : i32
      %add3A_397 = arith.constant 3 : i32
      %add3A_398 = arith.addi %mul3A_396, %add3A_397 : i32
      %dma_wait3A_399 = arith.constant 0 : i32
      %dma_wait3A_400 = arith.constant 0 : i32
      %dma_wait3A_401 = tpu.memref_slice %arg10[%dma_wait3A_399, %dma_wait3A_400] : memref<20480x16xf32, #tpu.memory_space<vmem_shared>> -> memref<128x16xf32, #tpu.memory_space<vmem_shared>>
      %dma_wait3A_402 = arith.constant 0 : i32
      %dma_wait3A_403 = arith.constant 0 : i32
      %dma_wait3A_404 = tpu.memref_slice %arg10[%dma_wait3A_402, %dma_wait3A_403] : memref<20480x16xf32, #tpu.memory_space<vmem_shared>> -> memref<128x16xf32, #tpu.memory_space<vmem_shared>>
      tpu.wait_dma2 semaphore(%arg22 : memref<!tpu.dma_semaphore, #tpu.memory_space<semaphore_mem>>) src(%dma_wait3A_404 : memref<128x16xf32, #tpu.memory_space<vmem_shared>>) dst(%arg14 : memref<128x16xf32, #tpu.memory_space<vmem>>)
      %dma_start3A_405 = arith.constant 0 : i32
      %dma_start3A_406 = tpu.memref_slice %arg8[%add3A_398, %dma_start3A_405] : memref<80x128xi32, #tpu.memory_space<vmem>> -> memref<1x128xi32, #tpu.memory_space<vmem>>
      %dma_start3A_407 = tpu.memref_squeeze %dma_start3A_406 : memref<1x128xi32, #tpu.memory_space<vmem>> -> memref<128xi32, #tpu.memory_space<vmem>>
      %dma_start3A_408 = arith.constant 0 : i32
      %dma_start3A_409 = arith.constant 0 : i32
      %dma_start3A_410 = tpu.memref_slice %arg9[%dma_start3A_408, %dma_start3A_409] : memref<10240x16xf32, #tpu.memory_space<vmem_shared>> -> memref<10240x16xf32, #tpu.memory_space<vmem_shared>>
      tpu.enqueue_indirect_dma source(%arg14 : memref<128x16xf32, #tpu.memory_space<vmem>>) target(%dma_start3A_410 : memref<10240x16xf32, #tpu.memory_space<vmem_shared>>) offsets(%dma_start3A_407 : memref<128xi32, #tpu.memory_space<vmem>>) semaphore(%arg30 : memref<!tpu.dma_semaphore, #tpu.memory_space<semaphore_mem>>) {add = true}
      %add3A_411 = arith.constant 4 : i32
      %add3A_412 = arith.addi %add3A_398, %add3A_411 : i32
      %lt3A_413 = arith.constant 80 : i32
      %lt3A_414 = arith.cmpi slt, %add3A_412, %lt3A_413 : i32
      %convert_element_type3A_415 = arith.extui %lt3A_414 : i1 to i32
      %cond3A_416 = arith.constant 0 : i32
      %cond3A_417 = arith.cmpi ne, %convert_element_type3A_415, %cond3A_416 : i32
      scf.if %cond3A_417 {
        %dma_wait3A_510 = arith.constant 0 : i32
        %dma_wait3A_511 = arith.constant 0 : i32
        %dma_wait3A_512 = tpu.memref_slice %arg8[%dma_wait3A_510, %dma_wait3A_511] : memref<80x128xi32, #tpu.memory_space<vmem>> -> memref<1x128xi32, #tpu.memory_space<vmem>>
        %dma_wait3A_513 = tpu.memref_squeeze %dma_wait3A_512 : memref<1x128xi32, #tpu.memory_space<vmem>> -> memref<128xi32, #tpu.memory_space<vmem>>
        %dma_wait3A_514 = arith.constant 0 : i32
        %dma_wait3A_515 = arith.constant 0 : i32
        %dma_wait3A_516 = tpu.memref_slice %arg9[%dma_wait3A_514, %dma_wait3A_515] : memref<10240x16xf32, #tpu.memory_space<vmem_shared>> -> memref<10240x16xf32, #tpu.memory_space<vmem_shared>>
        tpu.wait_indirect_dma semaphore(%arg34 : memref<!tpu.dma_semaphore, #tpu.memory_space<semaphore_mem>>) src(%arg18 : memref<128x16xf32, #tpu.memory_space<vmem>>) dst(%dma_wait3A_516 : memref<10240x16xf32, #tpu.memory_space<vmem_shared>>)
        %dma_start3A_517 = arith.constant 0 : i32
        %dma_start3A_518 = tpu.memref_slice %arg7[%add3A_412, %dma_start3A_517] : memref<80x128xi32, #tpu.memory_space<vmem>> -> memref<1x128xi32, #tpu.memory_space<vmem>>
        %dma_start3A_519 = tpu.memref_squeeze %dma_start3A_518 : memref<1x128xi32, #tpu.memory_space<vmem>> -> memref<128xi32, #tpu.memory_space<vmem>>
        %dma_start3A_520 = arith.constant 0 : i32
        %dma_start3A_521 = arith.constant 0 : i32
        %dma_start3A_522 = tpu.memref_slice %arg10[%dma_start3A_520, %dma_start3A_521] : memref<20480x16xf32, #tpu.memory_space<vmem_shared>> -> memref<20480x16xf32, #tpu.memory_space<vmem_shared>>
        tpu.enqueue_indirect_dma source(%dma_start3A_522 : memref<20480x16xf32, #tpu.memory_space<vmem_shared>>) target(%arg18 : memref<128x16xf32, #tpu.memory_space<vmem>>) offsets(%dma_start3A_519 : memref<128xi32, #tpu.memory_space<vmem>>) semaphore(%arg26 : memref<!tpu.dma_semaphore, #tpu.memory_space<semaphore_mem>>)
      } else {
      }
      %mul3A_418 = arith.constant 8 : i32
      %mul3A_419 = arith.muli %scan3A_327, %mul3A_418 : i32
      %add3A_420 = arith.constant 4 : i32
      %add3A_421 = arith.addi %mul3A_419, %add3A_420 : i32
      %dma_wait3A_422 = arith.constant 0 : i32
      %dma_wait3A_423 = arith.constant 0 : i32
      %dma_wait3A_424 = tpu.memref_slice %arg10[%dma_wait3A_422, %dma_wait3A_423] : memref<20480x16xf32, #tpu.memory_space<vmem_shared>> -> memref<128x16xf32, #tpu.memory_space<vmem_shared>>
      %dma_wait3A_425 = arith.constant 0 : i32
      %dma_wait3A_426 = arith.constant 0 : i32
      %dma_wait3A_427 = tpu.memref_slice %arg10[%dma_wait3A_425, %dma_wait3A_426] : memref<20480x16xf32, #tpu.memory_space<vmem_shared>> -> memref<128x16xf32, #tpu.memory_space<vmem_shared>>
      tpu.wait_dma2 semaphore(%arg23 : memref<!tpu.dma_semaphore, #tpu.memory_space<semaphore_mem>>) src(%dma_wait3A_427 : memref<128x16xf32, #tpu.memory_space<vmem_shared>>) dst(%arg15 : memref<128x16xf32, #tpu.memory_space<vmem>>)
      %dma_start3A_428 = arith.constant 0 : i32
      %dma_start3A_429 = tpu.memref_slice %arg8[%add3A_421, %dma_start3A_428] : memref<80x128xi32, #tpu.memory_space<vmem>> -> memref<1x128xi32, #tpu.memory_space<vmem>>
      %dma_start3A_430 = tpu.memref_squeeze %dma_start3A_429 : memref<1x128xi32, #tpu.memory_space<vmem>> -> memref<128xi32, #tpu.memory_space<vmem>>
      %dma_start3A_431 = arith.constant 0 : i32
      %dma_start3A_432 = arith.constant 0 : i32
      %dma_start3A_433 = tpu.memref_slice %arg9[%dma_start3A_431, %dma_start3A_432] : memref<10240x16xf32, #tpu.memory_space<vmem_shared>> -> memref<10240x16xf32, #tpu.memory_space<vmem_shared>>
      tpu.enqueue_indirect_dma source(%arg15 : memref<128x16xf32, #tpu.memory_space<vmem>>) target(%dma_start3A_433 : memref<10240x16xf32, #tpu.memory_space<vmem_shared>>) offsets(%dma_start3A_430 : memref<128xi32, #tpu.memory_space<vmem>>) semaphore(%arg31 : memref<!tpu.dma_semaphore, #tpu.memory_space<semaphore_mem>>) {add = true}
      %add3A_434 = arith.constant 4 : i32
      %add3A_435 = arith.addi %add3A_421, %add3A_434 : i32
      %lt3A_436 = arith.constant 80 : i32
      %lt3A_437 = arith.cmpi slt, %add3A_435, %lt3A_436 : i32
      %convert_element_type3A_438 = arith.extui %lt3A_437 : i1 to i32
      %cond3A_439 = arith.constant 0 : i32
      %cond3A_440 = arith.cmpi ne, %convert_element_type3A_438, %cond3A_439 : i32
      scf.if %cond3A_440 {
        %dma_wait3A_510 = arith.constant 0 : i32
        %dma_wait3A_511 = arith.constant 0 : i32
        %dma_wait3A_512 = tpu.memref_slice %arg8[%dma_wait3A_510, %dma_wait3A_511] : memref<80x128xi32, #tpu.memory_space<vmem>> -> memref<1x128xi32, #tpu.memory_space<vmem>>
        %dma_wait3A_513 = tpu.memref_squeeze %dma_wait3A_512 : memref<1x128xi32, #tpu.memory_space<vmem>> -> memref<128xi32, #tpu.memory_space<vmem>>
        %dma_wait3A_514 = arith.constant 0 : i32
        %dma_wait3A_515 = arith.constant 0 : i32
        %dma_wait3A_516 = tpu.memref_slice %arg9[%dma_wait3A_514, %dma_wait3A_515] : memref<10240x16xf32, #tpu.memory_space<vmem_shared>> -> memref<10240x16xf32, #tpu.memory_space<vmem_shared>>
        tpu.wait_indirect_dma semaphore(%arg27 : memref<!tpu.dma_semaphore, #tpu.memory_space<semaphore_mem>>) src(%arg11 : memref<128x16xf32, #tpu.memory_space<vmem>>) dst(%dma_wait3A_516 : memref<10240x16xf32, #tpu.memory_space<vmem_shared>>)
        %dma_start3A_517 = arith.constant 0 : i32
        %dma_start3A_518 = tpu.memref_slice %arg7[%add3A_435, %dma_start3A_517] : memref<80x128xi32, #tpu.memory_space<vmem>> -> memref<1x128xi32, #tpu.memory_space<vmem>>
        %dma_start3A_519 = tpu.memref_squeeze %dma_start3A_518 : memref<1x128xi32, #tpu.memory_space<vmem>> -> memref<128xi32, #tpu.memory_space<vmem>>
        %dma_start3A_520 = arith.constant 0 : i32
        %dma_start3A_521 = arith.constant 0 : i32
        %dma_start3A_522 = tpu.memref_slice %arg10[%dma_start3A_520, %dma_start3A_521] : memref<20480x16xf32, #tpu.memory_space<vmem_shared>> -> memref<20480x16xf32, #tpu.memory_space<vmem_shared>>
        tpu.enqueue_indirect_dma source(%dma_start3A_522 : memref<20480x16xf32, #tpu.memory_space<vmem_shared>>) target(%arg11 : memref<128x16xf32, #tpu.memory_space<vmem>>) offsets(%dma_start3A_519 : memref<128xi32, #tpu.memory_space<vmem>>) semaphore(%arg19 : memref<!tpu.dma_semaphore, #tpu.memory_space<semaphore_mem>>)
      } else {
      }
      %mul3A_441 = arith.constant 8 : i32
      %mul3A_442 = arith.muli %scan3A_327, %mul3A_441 : i32
      %add3A_443 = arith.constant 5 : i32
      %add3A_444 = arith.addi %mul3A_442, %add3A_443 : i32
      %dma_wait3A_445 = arith.constant 0 : i32
      %dma_wait3A_446 = arith.constant 0 : i32
      %dma_wait3A_447 = tpu.memref_slice %arg10[%dma_wait3A_445, %dma_wait3A_446] : memref<20480x16xf32, #tpu.memory_space<vmem_shared>> -> memref<128x16xf32, #tpu.memory_space<vmem_shared>>
      %dma_wait3A_448 = arith.constant 0 : i32
      %dma_wait3A_449 = arith.constant 0 : i32
      %dma_wait3A_450 = tpu.memref_slice %arg10[%dma_wait3A_448, %dma_wait3A_449] : memref<20480x16xf32, #tpu.memory_space<vmem_shared>> -> memref<128x16xf32, #tpu.memory_space<vmem_shared>>
      tpu.wait_dma2 semaphore(%arg24 : memref<!tpu.dma_semaphore, #tpu.memory_space<semaphore_mem>>) src(%dma_wait3A_450 : memref<128x16xf32, #tpu.memory_space<vmem_shared>>) dst(%arg16 : memref<128x16xf32, #tpu.memory_space<vmem>>)
      %dma_start3A_451 = arith.constant 0 : i32
      %dma_start3A_452 = tpu.memref_slice %arg8[%add3A_444, %dma_start3A_451] : memref<80x128xi32, #tpu.memory_space<vmem>> -> memref<1x128xi32, #tpu.memory_space<vmem>>
      %dma_start3A_453 = tpu.memref_squeeze %dma_start3A_452 : memref<1x128xi32, #tpu.memory_space<vmem>> -> memref<128xi32, #tpu.memory_space<vmem>>
      %dma_start3A_454 = arith.constant 0 : i32
      %dma_start3A_455 = arith.constant 0 : i32
      %dma_start3A_456 = tpu.memref_slice %arg9[%dma_start3A_454, %dma_start3A_455] : memref<10240x16xf32, #tpu.memory_space<vmem_shared>> -> memref<10240x16xf32, #tpu.memory_space<vmem_shared>>
      tpu.enqueue_indirect_dma source(%arg16 : memref<128x16xf32, #tpu.memory_space<vmem>>) target(%dma_start3A_456 : memref<10240x16xf32, #tpu.memory_space<vmem_shared>>) offsets(%dma_start3A_453 : memref<128xi32, #tpu.memory_space<vmem>>) semaphore(%arg32 : memref<!tpu.dma_semaphore, #tpu.memory_space<semaphore_mem>>) {add = true}
      %add3A_457 = arith.constant 4 : i32
      %add3A_458 = arith.addi %add3A_444, %add3A_457 : i32
      %lt3A_459 = arith.constant 80 : i32
      %lt3A_460 = arith.cmpi slt, %add3A_458, %lt3A_459 : i32
      %convert_element_type3A_461 = arith.extui %lt3A_460 : i1 to i32
      %cond3A_462 = arith.constant 0 : i32
      %cond3A_463 = arith.cmpi ne, %convert_element_type3A_461, %cond3A_462 : i32
      scf.if %cond3A_463 {
        %dma_wait3A_510 = arith.constant 0 : i32
        %dma_wait3A_511 = arith.constant 0 : i32
        %dma_wait3A_512 = tpu.memref_slice %arg8[%dma_wait3A_510, %dma_wait3A_511] : memref<80x128xi32, #tpu.memory_space<vmem>> -> memref<1x128xi32, #tpu.memory_space<vmem>>
        %dma_wait3A_513 = tpu.memref_squeeze %dma_wait3A_512 : memref<1x128xi32, #tpu.memory_space<vmem>> -> memref<128xi32, #tpu.memory_space<vmem>>
        %dma_wait3A_514 = arith.constant 0 : i32
        %dma_wait3A_515 = arith.constant 0 : i32
        %dma_wait3A_516 = tpu.memref_slice %arg9[%dma_wait3A_514, %dma_wait3A_515] : memref<10240x16xf32, #tpu.memory_space<vmem_shared>> -> memref<10240x16xf32, #tpu.memory_space<vmem_shared>>
        tpu.wait_indirect_dma semaphore(%arg28 : memref<!tpu.dma_semaphore, #tpu.memory_space<semaphore_mem>>) src(%arg12 : memref<128x16xf32, #tpu.memory_space<vmem>>) dst(%dma_wait3A_516 : memref<10240x16xf32, #tpu.memory_space<vmem_shared>>)
        %dma_start3A_517 = arith.constant 0 : i32
        %dma_start3A_518 = tpu.memref_slice %arg7[%add3A_458, %dma_start3A_517] : memref<80x128xi32, #tpu.memory_space<vmem>> -> memref<1x128xi32, #tpu.memory_space<vmem>>
        %dma_start3A_519 = tpu.memref_squeeze %dma_start3A_518 : memref<1x128xi32, #tpu.memory_space<vmem>> -> memref<128xi32, #tpu.memory_space<vmem>>
        %dma_start3A_520 = arith.constant 0 : i32
        %dma_start3A_521 = arith.constant 0 : i32
        %dma_start3A_522 = tpu.memref_slice %arg10[%dma_start3A_520, %dma_start3A_521] : memref<20480x16xf32, #tpu.memory_space<vmem_shared>> -> memref<20480x16xf32, #tpu.memory_space<vmem_shared>>
        tpu.enqueue_indirect_dma source(%dma_start3A_522 : memref<20480x16xf32, #tpu.memory_space<vmem_shared>>) target(%arg12 : memref<128x16xf32, #tpu.memory_space<vmem>>) offsets(%dma_start3A_519 : memref<128xi32, #tpu.memory_space<vmem>>) semaphore(%arg20 : memref<!tpu.dma_semaphore, #tpu.memory_space<semaphore_mem>>)
      } else {
      }
      %mul3A_464 = arith.constant 8 : i32
      %mul3A_465 = arith.muli %scan3A_327, %mul3A_464 : i32
      %add3A_466 = arith.constant 6 : i32
      %add3A_467 = arith.addi %mul3A_465, %add3A_466 : i32
      %dma_wait3A_468 = arith.constant 0 : i32
      %dma_wait3A_469 = arith.constant 0 : i32
      %dma_wait3A_470 = tpu.memref_slice %arg10[%dma_wait3A_468, %dma_wait3A_469] : memref<20480x16xf32, #tpu.memory_space<vmem_shared>> -> memref<128x16xf32, #tpu.memory_space<vmem_shared>>
      %dma_wait3A_471 = arith.constant 0 : i32
      %dma_wait3A_472 = arith.constant 0 : i32
      %dma_wait3A_473 = tpu.memref_slice %arg10[%dma_wait3A_471, %dma_wait3A_472] : memref<20480x16xf32, #tpu.memory_space<vmem_shared>> -> memref<128x16xf32, #tpu.memory_space<vmem_shared>>
      tpu.wait_dma2 semaphore(%arg25 : memref<!tpu.dma_semaphore, #tpu.memory_space<semaphore_mem>>) src(%dma_wait3A_473 : memref<128x16xf32, #tpu.memory_space<vmem_shared>>) dst(%arg17 : memref<128x16xf32, #tpu.memory_space<vmem>>)
      %dma_start3A_474 = arith.constant 0 : i32
      %dma_start3A_475 = tpu.memref_slice %arg8[%add3A_467, %dma_start3A_474] : memref<80x128xi32, #tpu.memory_space<vmem>> -> memref<1x128xi32, #tpu.memory_space<vmem>>
      %dma_start3A_476 = tpu.memref_squeeze %dma_start3A_475 : memref<1x128xi32, #tpu.memory_space<vmem>> -> memref<128xi32, #tpu.memory_space<vmem>>
      %dma_start3A_477 = arith.constant 0 : i32
      %dma_start3A_478 = arith.constant 0 : i32
      %dma_start3A_479 = tpu.memref_slice %arg9[%dma_start3A_477, %dma_start3A_478] : memref<10240x16xf32, #tpu.memory_space<vmem_shared>> -> memref<10240x16xf32, #tpu.memory_space<vmem_shared>>
      tpu.enqueue_indirect_dma source(%arg17 : memref<128x16xf32, #tpu.memory_space<vmem>>) target(%dma_start3A_479 : memref<10240x16xf32, #tpu.memory_space<vmem_shared>>) offsets(%dma_start3A_476 : memref<128xi32, #tpu.memory_space<vmem>>) semaphore(%arg33 : memref<!tpu.dma_semaphore, #tpu.memory_space<semaphore_mem>>) {add = true}
      %add3A_480 = arith.constant 4 : i32
      %add3A_481 = arith.addi %add3A_467, %add3A_480 : i32
      %lt3A_482 = arith.constant 80 : i32
      %lt3A_483 = arith.cmpi slt, %add3A_481, %lt3A_482 : i32
      %convert_element_type3A_484 = arith.extui %lt3A_483 : i1 to i32
      %cond3A_485 = arith.constant 0 : i32
      %cond3A_486 = arith.cmpi ne, %convert_element_type3A_484, %cond3A_485 : i32
      scf.if %cond3A_486 {
        %dma_wait3A_510 = arith.constant 0 : i32
        %dma_wait3A_511 = arith.constant 0 : i32
        %dma_wait3A_512 = tpu.memref_slice %arg8[%dma_wait3A_510, %dma_wait3A_511] : memref<80x128xi32, #tpu.memory_space<vmem>> -> memref<1x128xi32, #tpu.memory_space<vmem>>
        %dma_wait3A_513 = tpu.memref_squeeze %dma_wait3A_512 : memref<1x128xi32, #tpu.memory_space<vmem>> -> memref<128xi32, #tpu.memory_space<vmem>>
        %dma_wait3A_514 = arith.constant 0 : i32
        %dma_wait3A_515 = arith.constant 0 : i32
        %dma_wait3A_516 = tpu.memref_slice %arg9[%dma_wait3A_514, %dma_wait3A_515] : memref<10240x16xf32, #tpu.memory_space<vmem_shared>> -> memref<10240x16xf32, #tpu.memory_space<vmem_shared>>
        tpu.wait_indirect_dma semaphore(%arg29 : memref<!tpu.dma_semaphore, #tpu.memory_space<semaphore_mem>>) src(%arg13 : memref<128x16xf32, #tpu.memory_space<vmem>>) dst(%dma_wait3A_516 : memref<10240x16xf32, #tpu.memory_space<vmem_shared>>)
        %dma_start3A_517 = arith.constant 0 : i32
        %dma_start3A_518 = tpu.memref_slice %arg7[%add3A_481, %dma_start3A_517] : memref<80x128xi32, #tpu.memory_space<vmem>> -> memref<1x128xi32, #tpu.memory_space<vmem>>
        %dma_start3A_519 = tpu.memref_squeeze %dma_start3A_518 : memref<1x128xi32, #tpu.memory_space<vmem>> -> memref<128xi32, #tpu.memory_space<vmem>>
        %dma_start3A_520 = arith.constant 0 : i32
        %dma_start3A_521 = arith.constant 0 : i32
        %dma_start3A_522 = tpu.memref_slice %arg10[%dma_start3A_520, %dma_start3A_521] : memref<20480x16xf32, #tpu.memory_space<vmem_shared>> -> memref<20480x16xf32, #tpu.memory_space<vmem_shared>>
        tpu.enqueue_indirect_dma source(%dma_start3A_522 : memref<20480x16xf32, #tpu.memory_space<vmem_shared>>) target(%arg13 : memref<128x16xf32, #tpu.memory_space<vmem>>) offsets(%dma_start3A_519 : memref<128xi32, #tpu.memory_space<vmem>>) semaphore(%arg21 : memref<!tpu.dma_semaphore, #tpu.memory_space<semaphore_mem>>)
      } else {
      }
      %mul3A_487 = arith.constant 8 : i32
      %mul3A_488 = arith.muli %scan3A_327, %mul3A_487 : i32
      %add3A_489 = arith.constant 7 : i32
      %add3A_490 = arith.addi %mul3A_488, %add3A_489 : i32
      %dma_wait3A_491 = arith.constant 0 : i32
      %dma_wait3A_492 = arith.constant 0 : i32
      %dma_wait3A_493 = tpu.memref_slice %arg10[%dma_wait3A_491, %dma_wait3A_492] : memref<20480x16xf32, #tpu.memory_space<vmem_shared>> -> memref<128x16xf32, #tpu.memory_space<vmem_shared>>
      %dma_wait3A_494 = arith.constant 0 : i32
      %dma_wait3A_495 = arith.constant 0 : i32
      %dma_wait3A_496 = tpu.memref_slice %arg10[%dma_wait3A_494, %dma_wait3A_495] : memref<20480x16xf32, #tpu.memory_space<vmem_shared>> -> memref<128x16xf32, #tpu.memory_space<vmem_shared>>
      tpu.wait_dma2 semaphore(%arg26 : memref<!tpu.dma_semaphore, #tpu.memory_space<semaphore_mem>>) src(%dma_wait3A_496 : memref<128x16xf32, #tpu.memory_space<vmem_shared>>) dst(%arg18 : memref<128x16xf32, #tpu.memory_space<vmem>>)
      %dma_start3A_497 = arith.constant 0 : i32
      %dma_start3A_498 = tpu.memref_slice %arg8[%add3A_490, %dma_start3A_497] : memref<80x128xi32, #tpu.memory_space<vmem>> -> memref<1x128xi32, #tpu.memory_space<vmem>>
      %dma_start3A_499 = tpu.memref_squeeze %dma_start3A_498 : memref<1x128xi32, #tpu.memory_space<vmem>> -> memref<128xi32, #tpu.memory_space<vmem>>
      %dma_start3A_500 = arith.constant 0 : i32
      %dma_start3A_501 = arith.constant 0 : i32
      %dma_start3A_502 = tpu.memref_slice %arg9[%dma_start3A_500, %dma_start3A_501] : memref<10240x16xf32, #tpu.memory_space<vmem_shared>> -> memref<10240x16xf32, #tpu.memory_space<vmem_shared>>
      tpu.enqueue_indirect_dma source(%arg18 : memref<128x16xf32, #tpu.memory_space<vmem>>) target(%dma_start3A_502 : memref<10240x16xf32, #tpu.memory_space<vmem_shared>>) offsets(%dma_start3A_499 : memref<128xi32, #tpu.memory_space<vmem>>) semaphore(%arg34 : memref<!tpu.dma_semaphore, #tpu.memory_space<semaphore_mem>>) {add = true}
      %add3A_503 = arith.constant 4 : i32
      %add3A_504 = arith.addi %add3A_490, %add3A_503 : i32
      %lt3A_505 = arith.constant 80 : i32
      %lt3A_506 = arith.cmpi slt, %add3A_504, %lt3A_505 : i32
      %convert_element_type3A_507 = arith.extui %lt3A_506 : i1 to i32
      %cond3A_508 = arith.constant 0 : i32
      %cond3A_509 = arith.cmpi ne, %convert_element_type3A_507, %cond3A_508 : i32
      scf.if %cond3A_509 {
        %dma_wait3A_510 = arith.constant 0 : i32
        %dma_wait3A_511 = arith.constant 0 : i32
        %dma_wait3A_512 = tpu.memref_slice %arg8[%dma_wait3A_510, %dma_wait3A_511] : memref<80x128xi32, #tpu.memory_space<vmem>> -> memref<1x128xi32, #tpu.memory_space<vmem>>
        %dma_wait3A_513 = tpu.memref_squeeze %dma_wait3A_512 : memref<1x128xi32, #tpu.memory_space<vmem>> -> memref<128xi32, #tpu.memory_space<vmem>>
        %dma_wait3A_514 = arith.constant 0 : i32
        %dma_wait3A_515 = arith.constant 0 : i32
        %dma_wait3A_516 = tpu.memref_slice %arg9[%dma_wait3A_514, %dma_wait3A_515] : memref<10240x16xf32, #tpu.memory_space<vmem_shared>> -> memref<10240x16xf32, #tpu.memory_space<vmem_shared>>
        tpu.wait_indirect_dma semaphore(%arg30 : memref<!tpu.dma_semaphore, #tpu.memory_space<semaphore_mem>>) src(%arg14 : memref<128x16xf32, #tpu.memory_space<vmem>>) dst(%dma_wait3A_516 : memref<10240x16xf32, #tpu.memory_space<vmem_shared>>)
        %dma_start3A_517 = arith.constant 0 : i32
        %dma_start3A_518 = tpu.memref_slice %arg7[%add3A_504, %dma_start3A_517] : memref<80x128xi32, #tpu.memory_space<vmem>> -> memref<1x128xi32, #tpu.memory_space<vmem>>
        %dma_start3A_519 = tpu.memref_squeeze %dma_start3A_518 : memref<1x128xi32, #tpu.memory_space<vmem>> -> memref<128xi32, #tpu.memory_space<vmem>>
        %dma_start3A_520 = arith.constant 0 : i32
        %dma_start3A_521 = arith.constant 0 : i32
        %dma_start3A_522 = tpu.memref_slice %arg10[%dma_start3A_520, %dma_start3A_521] : memref<20480x16xf32, #tpu.memory_space<vmem_shared>> -> memref<20480x16xf32, #tpu.memory_space<vmem_shared>>
        tpu.enqueue_indirect_dma source(%dma_start3A_522 : memref<20480x16xf32, #tpu.memory_space<vmem_shared>>) target(%arg14 : memref<128x16xf32, #tpu.memory_space<vmem>>) offsets(%dma_start3A_519 : memref<128xi32, #tpu.memory_space<vmem>>) semaphore(%arg22 : memref<!tpu.dma_semaphore, #tpu.memory_space<semaphore_mem>>)
      } else {
      }
    }
    %scan3A_265 = arith.constant 9 : i32
    %dma_wait3A_266 = arith.constant 0 : i32
    %dma_wait3A_267 = arith.constant 0 : i32
    %dma_wait3A_268 = tpu.memref_slice %arg8[%dma_wait3A_266, %dma_wait3A_267] : memref<80x128xi32, #tpu.memory_space<vmem>> -> memref<1x128xi32, #tpu.memory_space<vmem>>
    %dma_wait3A_269 = tpu.memref_squeeze %dma_wait3A_268 : memref<1x128xi32, #tpu.memory_space<vmem>> -> memref<128xi32, #tpu.memory_space<vmem>>
    %dma_wait3A_270 = arith.constant 0 : i32
    %dma_wait3A_271 = arith.constant 0 : i32
    %dma_wait3A_272 = tpu.memref_slice %arg9[%dma_wait3A_270, %dma_wait3A_271] : memref<10240x16xf32, #tpu.memory_space<vmem_shared>> -> memref<10240x16xf32, #tpu.memory_space<vmem_shared>>
    tpu.wait_indirect_dma semaphore(%arg27 : memref<!tpu.dma_semaphore, #tpu.memory_space<semaphore_mem>>) src(%arg11 : memref<128x16xf32, #tpu.memory_space<vmem>>) dst(%dma_wait3A_272 : memref<10240x16xf32, #tpu.memory_space<vmem_shared>>)
    %dma_wait3A_273 = arith.constant 0 : i32
    %dma_wait3A_274 = arith.constant 0 : i32
    %dma_wait3A_275 = tpu.memref_slice %arg8[%dma_wait3A_273, %dma_wait3A_274] : memref<80x128xi32, #tpu.memory_space<vmem>> -> memref<1x128xi32, #tpu.memory_space<vmem>>
    %dma_wait3A_276 = tpu.memref_squeeze %dma_wait3A_275 : memref<1x128xi32, #tpu.memory_space<vmem>> -> memref<128xi32, #tpu.memory_space<vmem>>
    %dma_wait3A_277 = arith.constant 0 : i32
    %dma_wait3A_278 = arith.constant 0 : i32
    %dma_wait3A_279 = tpu.memref_slice %arg9[%dma_wait3A_277, %dma_wait3A_278] : memref<10240x16xf32, #tpu.memory_space<vmem_shared>> -> memref<10240x16xf32, #tpu.memory_space<vmem_shared>>
    tpu.wait_indirect_dma semaphore(%arg28 : memref<!tpu.dma_semaphore, #tpu.memory_space<semaphore_mem>>) src(%arg12 : memref<128x16xf32, #tpu.memory_space<vmem>>) dst(%dma_wait3A_279 : memref<10240x16xf32, #tpu.memory_space<vmem_shared>>)
    %dma_wait3A_280 = arith.constant 0 : i32
    %dma_wait3A_281 = arith.constant 0 : i32
    %dma_wait3A_282 = tpu.memref_slice %arg8[%dma_wait3A_280, %dma_wait3A_281] : memref<80x128xi32, #tpu.memory_space<vmem>> -> memref<1x128xi32, #tpu.memory_space<vmem>>
    %dma_wait3A_283 = tpu.memref_squeeze %dma_wait3A_282 : memref<1x128xi32, #tpu.memory_space<vmem>> -> memref<128xi32, #tpu.memory_space<vmem>>
    %dma_wait3A_284 = arith.constant 0 : i32
    %dma_wait3A_285 = arith.constant 0 : i32
    %dma_wait3A_286 = tpu.memref_slice %arg9[%dma_wait3A_284, %dma_wait3A_285] : memref<10240x16xf32, #tpu.memory_space<vmem_shared>> -> memref<10240x16xf32, #tpu.memory_space<vmem_shared>>
    tpu.wait_indirect_dma semaphore(%arg29 : memref<!tpu.dma_semaphore, #tpu.memory_space<semaphore_mem>>) src(%arg13 : memref<128x16xf32, #tpu.memory_space<vmem>>) dst(%dma_wait3A_286 : memref<10240x16xf32, #tpu.memory_space<vmem_shared>>)
    %dma_wait3A_287 = arith.constant 0 : i32
    %dma_wait3A_288 = arith.constant 0 : i32
    %dma_wait3A_289 = tpu.memref_slice %arg8[%dma_wait3A_287, %dma_wait3A_288] : memref<80x128xi32, #tpu.memory_space<vmem>> -> memref<1x128xi32, #tpu.memory_space<vmem>>
    %dma_wait3A_290 = tpu.memref_squeeze %dma_wait3A_289 : memref<1x128xi32, #tpu.memory_space<vmem>> -> memref<128xi32, #tpu.memory_space<vmem>>
    %dma_wait3A_291 = arith.constant 0 : i32
    %dma_wait3A_292 = arith.constant 0 : i32
    %dma_wait3A_293 = tpu.memref_slice %arg9[%dma_wait3A_291, %dma_wait3A_292] : memref<10240x16xf32, #tpu.memory_space<vmem_shared>> -> memref<10240x16xf32, #tpu.memory_space<vmem_shared>>
    tpu.wait_indirect_dma semaphore(%arg30 : memref<!tpu.dma_semaphore, #tpu.memory_space<semaphore_mem>>) src(%arg14 : memref<128x16xf32, #tpu.memory_space<vmem>>) dst(%dma_wait3A_293 : memref<10240x16xf32, #tpu.memory_space<vmem_shared>>)
    %dma_wait3A_294 = arith.constant 0 : i32
    %dma_wait3A_295 = arith.constant 0 : i32
    %dma_wait3A_296 = tpu.memref_slice %arg8[%dma_wait3A_294, %dma_wait3A_295] : memref<80x128xi32, #tpu.memory_space<vmem>> -> memref<1x128xi32, #tpu.memory_space<vmem>>
    %dma_wait3A_297 = tpu.memref_squeeze %dma_wait3A_296 : memref<1x128xi32, #tpu.memory_space<vmem>> -> memref<128xi32, #tpu.memory_space<vmem>>
    %dma_wait3A_298 = arith.constant 0 : i32
    %dma_wait3A_299 = arith.constant 0 : i32
    %dma_wait3A_300 = tpu.memref_slice %arg9[%dma_wait3A_298, %dma_wait3A_299] : memref<10240x16xf32, #tpu.memory_space<vmem_shared>> -> memref<10240x16xf32, #tpu.memory_space<vmem_shared>>
    tpu.wait_indirect_dma semaphore(%arg31 : memref<!tpu.dma_semaphore, #tpu.memory_space<semaphore_mem>>) src(%arg15 : memref<128x16xf32, #tpu.memory_space<vmem>>) dst(%dma_wait3A_300 : memref<10240x16xf32, #tpu.memory_space<vmem_shared>>)
    %dma_wait3A_301 = arith.constant 0 : i32
    %dma_wait3A_302 = arith.constant 0 : i32
    %dma_wait3A_303 = tpu.memref_slice %arg8[%dma_wait3A_301, %dma_wait3A_302] : memref<80x128xi32, #tpu.memory_space<vmem>> -> memref<1x128xi32, #tpu.memory_space<vmem>>
    %dma_wait3A_304 = tpu.memref_squeeze %dma_wait3A_303 : memref<1x128xi32, #tpu.memory_space<vmem>> -> memref<128xi32, #tpu.memory_space<vmem>>
    %dma_wait3A_305 = arith.constant 0 : i32
    %dma_wait3A_306 = arith.constant 0 : i32
    %dma_wait3A_307 = tpu.memref_slice %arg9[%dma_wait3A_305, %dma_wait3A_306] : memref<10240x16xf32, #tpu.memory_space<vmem_shared>> -> memref<10240x16xf32, #tpu.memory_space<vmem_shared>>
    tpu.wait_indirect_dma semaphore(%arg32 : memref<!tpu.dma_semaphore, #tpu.memory_space<semaphore_mem>>) src(%arg16 : memref<128x16xf32, #tpu.memory_space<vmem>>) dst(%dma_wait3A_307 : memref<10240x16xf32, #tpu.memory_space<vmem_shared>>)
    %dma_wait3A_308 = arith.constant 0 : i32
    %dma_wait3A_309 = arith.constant 0 : i32
    %dma_wait3A_310 = tpu.memref_slice %arg8[%dma_wait3A_308, %dma_wait3A_309] : memref<80x128xi32, #tpu.memory_space<vmem>> -> memref<1x128xi32, #tpu.memory_space<vmem>>
    %dma_wait3A_311 = tpu.memref_squeeze %dma_wait3A_310 : memref<1x128xi32, #tpu.memory_space<vmem>> -> memref<128xi32, #tpu.memory_space<vmem>>
    %dma_wait3A_312 = arith.constant 0 : i32
    %dma_wait3A_313 = arith.constant 0 : i32
    %dma_wait3A_314 = tpu.memref_slice %arg9[%dma_wait3A_312, %dma_wait3A_313] : memref<10240x16xf32, #tpu.memory_space<vmem_shared>> -> memref<10240x16xf32, #tpu.memory_space<vmem_shared>>
    tpu.wait_indirect_dma semaphore(%arg33 : memref<!tpu.dma_semaphore, #tpu.memory_space<semaphore_mem>>) src(%arg17 : memref<128x16xf32, #tpu.memory_space<vmem>>) dst(%dma_wait3A_314 : memref<10240x16xf32, #tpu.memory_space<vmem_shared>>)
    %dma_wait3A_315 = arith.constant 0 : i32
    %dma_wait3A_316 = arith.constant 0 : i32
    %dma_wait3A_317 = tpu.memref_slice %arg8[%dma_wait3A_315, %dma_wait3A_316] : memref<80x128xi32, #tpu.memory_space<vmem>> -> memref<1x128xi32, #tpu.memory_space<vmem>>
    %dma_wait3A_318 = tpu.memref_squeeze %dma_wait3A_317 : memref<1x128xi32, #tpu.memory_space<vmem>> -> memref<128xi32, #tpu.memory_space<vmem>>
    %dma_wait3A_319 = arith.constant 0 : i32
    %dma_wait3A_320 = arith.constant 0 : i32
    %dma_wait3A_321 = tpu.memref_slice %arg9[%dma_wait3A_319, %dma_wait3A_320] : memref<10240x16xf32, #tpu.memory_space<vmem_shared>> -> memref<10240x16xf32, #tpu.memory_space<vmem_shared>>
    tpu.wait_indirect_dma semaphore(%arg34 : memref<!tpu.dma_semaphore, #tpu.memory_space<semaphore_mem>>) src(%arg18 : memref<128x16xf32, #tpu.memory_space<vmem>>) dst(%dma_wait3A_321 : memref<10240x16xf32, #tpu.memory_space<vmem_shared>>)
    %barrier3A_322 = arith.constant 0 : index
    tpu.barrier barrier_id(%barrier3A_322)
    %mul3A_323 = arith.constant 640 : i32
    %mul3A_324 = arith.muli %arg1, %mul3A_323 : i32
    %mul3A_325 = arith.constant 640 : i32
    %mul3A_326 = arith.muli %arg1, %mul3A_325 : i32
    "tpu.region"() ({
      %run_scoped3A = tpu.sem_alloc : memref<!tpu.dma_semaphore, #tpu.memory_space<semaphore_mem>>
      %dma_start3A_327 = arith.constant 0 : i32
      %dma_start3A_328 = tpu.memref_slice %arg6[%arg0, %mul3A_326, %dma_start3A_327] : memref<2x10240x16xf32, #tpu.memory_space<hbm>> -> memref<1x640x16xf32, #tpu.memory_space<hbm>>
      %dma_start3A_329 = tpu.memref_squeeze %dma_start3A_328 : memref<1x640x16xf32, #tpu.memory_space<hbm>> -> memref<640x16xf32, #tpu.memory_space<hbm>>
      %dma_start3A_330 = arith.constant 0 : i32
      %dma_start3A_331 = tpu.memref_slice %arg9[%mul3A_324, %dma_start3A_330] : memref<10240x16xf32, #tpu.memory_space<vmem_shared>> -> memref<640x16xf32, #tpu.memory_space<vmem_shared>>
      tpu.enqueue_dma source(%dma_start3A_331 : memref<640x16xf32, #tpu.memory_space<vmem_shared>>) target(%dma_start3A_329 : memref<640x16xf32, #tpu.memory_space<hbm>>) target_semaphore(%run_scoped3A : memref<!tpu.dma_semaphore, #tpu.memory_space<semaphore_mem>>)
      %dma_wait3A_332 = arith.constant 0 : i32
      %dma_wait3A_333 = tpu.memref_slice %arg6[%arg0, %mul3A_326, %dma_wait3A_332] : memref<2x10240x16xf32, #tpu.memory_space<hbm>> -> memref<1x640x16xf32, #tpu.memory_space<hbm>>
      %dma_wait3A_334 = tpu.memref_squeeze %dma_wait3A_333 : memref<1x640x16xf32, #tpu.memory_space<hbm>> -> memref<640x16xf32, #tpu.memory_space<hbm>>
      %dma_wait3A_335 = arith.constant 0 : i32
      %dma_wait3A_336 = tpu.memref_slice %arg9[%mul3A_324, %dma_wait3A_335] : memref<10240x16xf32, #tpu.memory_space<vmem_shared>> -> memref<640x16xf32, #tpu.memory_space<vmem_shared>>
      tpu.wait_dma2 semaphore(%run_scoped3A : memref<!tpu.dma_semaphore, #tpu.memory_space<semaphore_mem>>) src(%dma_wait3A_336 : memref<640x16xf32, #tpu.memory_space<vmem_shared>>) dst(%dma_wait3A_334 : memref<640x16xf32, #tpu.memory_space<hbm>>)
      tpu.yield
    }) : () -> ()
    return
  }
}

module attributes {stable_mosaic.version = 14 : i64} {
  func.func @_mm_body(%arg0: i32, %arg1: memref<640x1024xf32, #tpu.memory_space<vmem>>, %arg2: memref<2x1024x128xf32, #tpu.memory_space<vmem>>, %arg3: memref<4x2xf32, #tpu.memory_space<smem>>, %arg4: memref<4x640x128xf32, #tpu.memory_space<vmem>>) attributes {dimension_semantics = [#tpu.dimension_semantics<arbitrary>], iteration_bounds = array<i64: 2>, scalar_prefetch = 0 : i64, scratch_operands = 0 : i64, tpu.core_type = #tpu.core_type<tc>, window_params = [{transform_indices = @transform_0, window_bounds = array<i64: 640, 1024>}, {pipeline_mode = #tpu.pipeline_mode<synchronous>, transform_indices = @transform_1, window_bounds = array<i64: 2, 1024, 128>}, {transform_indices = @transform_2, window_bounds = array<i64: 4, 2>}, {transform_indices = @transform_3, window_bounds = array<i64: 4, 640, 128>}]} {
    %get3A = arith.constant 0 : index
    %get3A_0 = arith.constant 0 : index
    %get3A_1 = vector.load %arg1[%get3A, %get3A_0] : memref<640x1024xf32, #tpu.memory_space<vmem>>, vector<640x1024xf32>
    %get3A_2 = arith.constant 0 : index
    %get3A_3 = arith.constant 0 : index
    %get3A_4 = memref.load %arg3[%get3A_2, %get3A_3] : memref<4x2xf32, #tpu.memory_space<smem>>
    %get3A_5 = arith.constant 0 : index
    %get3A_6 = arith.constant 0 : index
    %get3A_7 = arith.constant 0 : index
    %get3A_8 = vector.load %arg2[%get3A_5, %get3A_6, %get3A_7] : memref<2x1024x128xf32, #tpu.memory_space<vmem>>, vector<1x1024x128xf32>
    %get3A_9 = vector.shape_cast %get3A_8 : vector<1x1024x128xf32> to vector<1024x128xf32>
    %mul3A = vector.broadcast %get3A_4 : f32 to vector<1024x128xf32>
    %mul3A_10 = arith.mulf %mul3A, %get3A_9 : vector<1024x128xf32>
    %get3A_11 = arith.constant 0 : index
    %get3A_12 = arith.constant 1 : index
    %get3A_13 = memref.load %arg3[%get3A_11, %get3A_12] : memref<4x2xf32, #tpu.memory_space<smem>>
    %get3A_14 = arith.constant 1 : index
    %get3A_15 = arith.constant 0 : index
    %get3A_16 = arith.constant 0 : index
    %get3A_17 = vector.load %arg2[%get3A_14, %get3A_15, %get3A_16] : memref<2x1024x128xf32, #tpu.memory_space<vmem>>, vector<1x1024x128xf32>
    %get3A_18 = vector.shape_cast %get3A_17 : vector<1x1024x128xf32> to vector<1024x128xf32>
    %mul3A_19 = vector.broadcast %get3A_13 : f32 to vector<1024x128xf32>
    %mul3A_20 = arith.mulf %mul3A_19, %get3A_18 : vector<1024x128xf32>
    %add3A = arith.addf %mul3A_10, %mul3A_20 : vector<1024x128xf32>
    %dot_general3A = arith.constant dense<0.000000e+00> : vector<640x128xf32>
    %dot_general3A_21 = tpu.matmul %get3A_1, %add3A, %dot_general3A {dimension_numbers = #tpu.dot_dimension_numbers<[1], [0], [0], [1], [0, 0, 1, 1], [], []>, transpose_lhs_hint = false} : vector<640x1024xf32>, vector<1024x128xf32>, vector<640x128xf32> -> vector<640x128xf32>
    %swap3A = arith.constant 0 : index
    %swap3A_22 = arith.constant 0 : index
    %swap3A_23 = arith.constant 0 : index
    %swap3A_24 = vector.load %arg4[%swap3A, %swap3A_22, %swap3A_23] : memref<4x640x128xf32, #tpu.memory_space<vmem>>, vector<1x640x128xf32>
    %swap3A_25 = vector.shape_cast %swap3A_24 : vector<1x640x128xf32> to vector<640x128xf32>
    %swap3A_26 = vector.shape_cast %dot_general3A_21 : vector<640x128xf32> to vector<1x640x128xf32>
    tpu.vector_store %arg4[%swap3A, %swap3A_22, %swap3A_23], %swap3A_26 {strides = array<i32>} : memref<4x640x128xf32, #tpu.memory_space<vmem>>, vector<1x640x128xf32>,
    %get3A_27 = arith.constant 1 : index
    %get3A_28 = arith.constant 0 : index
    %get3A_29 = memref.load %arg3[%get3A_27, %get3A_28] : memref<4x2xf32, #tpu.memory_space<smem>>
    %get3A_30 = arith.constant 0 : index
    %get3A_31 = arith.constant 0 : index
    %get3A_32 = arith.constant 0 : index
    %get3A_33 = vector.load %arg2[%get3A_30, %get3A_31, %get3A_32] : memref<2x1024x128xf32, #tpu.memory_space<vmem>>, vector<1x1024x128xf32>
    %get3A_34 = vector.shape_cast %get3A_33 : vector<1x1024x128xf32> to vector<1024x128xf32>
    %mul3A_35 = vector.broadcast %get3A_29 : f32 to vector<1024x128xf32>
    %mul3A_36 = arith.mulf %mul3A_35, %get3A_34 : vector<1024x128xf32>
    %get3A_37 = arith.constant 1 : index
    %get3A_38 = arith.constant 1 : index
    %get3A_39 = memref.load %arg3[%get3A_37, %get3A_38] : memref<4x2xf32, #tpu.memory_space<smem>>
    %get3A_40 = arith.constant 1 : index
    %get3A_41 = arith.constant 0 : index
    %get3A_42 = arith.constant 0 : index
    %get3A_43 = vector.load %arg2[%get3A_40, %get3A_41, %get3A_42] : memref<2x1024x128xf32, #tpu.memory_space<vmem>>, vector<1x1024x128xf32>
    %get3A_44 = vector.shape_cast %get3A_43 : vector<1x1024x128xf32> to vector<1024x128xf32>
    %mul3A_45 = vector.broadcast %get3A_39 : f32 to vector<1024x128xf32>
    %mul3A_46 = arith.mulf %mul3A_45, %get3A_44 : vector<1024x128xf32>
    %add3A_47 = arith.addf %mul3A_36, %mul3A_46 : vector<1024x128xf32>
    %dot_general3A_48 = arith.constant dense<0.000000e+00> : vector<640x128xf32>
    %dot_general3A_49 = tpu.matmul %get3A_1, %add3A_47, %dot_general3A_48 {dimension_numbers = #tpu.dot_dimension_numbers<[1], [0], [0], [1], [0, 0, 1, 1], [], []>, transpose_lhs_hint = false} : vector<640x1024xf32>, vector<1024x128xf32>, vector<640x128xf32> -> vector<640x128xf32>
    %swap3A_50 = arith.constant 1 : index
    %swap3A_51 = arith.constant 0 : index
    %swap3A_52 = arith.constant 0 : index
    %swap3A_53 = vector.load %arg4[%swap3A_50, %swap3A_51, %swap3A_52] : memref<4x640x128xf32, #tpu.memory_space<vmem>>, vector<1x640x128xf32>
    %swap3A_54 = vector.shape_cast %swap3A_53 : vector<1x640x128xf32> to vector<640x128xf32>
    %swap3A_55 = vector.shape_cast %dot_general3A_49 : vector<640x128xf32> to vector<1x640x128xf32>
    tpu.vector_store %arg4[%swap3A_50, %swap3A_51, %swap3A_52], %swap3A_55 {strides = array<i32>} : memref<4x640x128xf32, #tpu.memory_space<vmem>>, vector<1x640x128xf32>,
    %get3A_56 = arith.constant 2 : index
    %get3A_57 = arith.constant 0 : index
    %get3A_58 = memref.load %arg3[%get3A_56, %get3A_57] : memref<4x2xf32, #tpu.memory_space<smem>>
    %get3A_59 = arith.constant 0 : index
    %get3A_60 = arith.constant 0 : index
    %get3A_61 = arith.constant 0 : index
    %get3A_62 = vector.load %arg2[%get3A_59, %get3A_60, %get3A_61] : memref<2x1024x128xf32, #tpu.memory_space<vmem>>, vector<1x1024x128xf32>
    %get3A_63 = vector.shape_cast %get3A_62 : vector<1x1024x128xf32> to vector<1024x128xf32>
    %mul3A_64 = vector.broadcast %get3A_58 : f32 to vector<1024x128xf32>
    %mul3A_65 = arith.mulf %mul3A_64, %get3A_63 : vector<1024x128xf32>
    %get3A_66 = arith.constant 2 : index
    %get3A_67 = arith.constant 1 : index
    %get3A_68 = memref.load %arg3[%get3A_66, %get3A_67] : memref<4x2xf32, #tpu.memory_space<smem>>
    %get3A_69 = arith.constant 1 : index
    %get3A_70 = arith.constant 0 : index
    %get3A_71 = arith.constant 0 : index
    %get3A_72 = vector.load %arg2[%get3A_69, %get3A_70, %get3A_71] : memref<2x1024x128xf32, #tpu.memory_space<vmem>>, vector<1x1024x128xf32>
    %get3A_73 = vector.shape_cast %get3A_72 : vector<1x1024x128xf32> to vector<1024x128xf32>
    %mul3A_74 = vector.broadcast %get3A_68 : f32 to vector<1024x128xf32>
    %mul3A_75 = arith.mulf %mul3A_74, %get3A_73 : vector<1024x128xf32>
    %add3A_76 = arith.addf %mul3A_65, %mul3A_75 : vector<1024x128xf32>
    %dot_general3A_77 = arith.constant dense<0.000000e+00> : vector<640x128xf32>
    %dot_general3A_78 = tpu.matmul %get3A_1, %add3A_76, %dot_general3A_77 {dimension_numbers = #tpu.dot_dimension_numbers<[1], [0], [0], [1], [0, 0, 1, 1], [], []>, transpose_lhs_hint = false} : vector<640x1024xf32>, vector<1024x128xf32>, vector<640x128xf32> -> vector<640x128xf32>
    %swap3A_79 = arith.constant 2 : index
    %swap3A_80 = arith.constant 0 : index
    %swap3A_81 = arith.constant 0 : index
    %swap3A_82 = vector.load %arg4[%swap3A_79, %swap3A_80, %swap3A_81] : memref<4x640x128xf32, #tpu.memory_space<vmem>>, vector<1x640x128xf32>
    %swap3A_83 = vector.shape_cast %swap3A_82 : vector<1x640x128xf32> to vector<640x128xf32>
    %swap3A_84 = vector.shape_cast %dot_general3A_78 : vector<640x128xf32> to vector<1x640x128xf32>
    tpu.vector_store %arg4[%swap3A_79, %swap3A_80, %swap3A_81], %swap3A_84 {strides = array<i32>} : memref<4x640x128xf32, #tpu.memory_space<vmem>>, vector<1x640x128xf32>,
    %get3A_85 = arith.constant 3 : index
    %get3A_86 = arith.constant 0 : index
    %get3A_87 = memref.load %arg3[%get3A_85, %get3A_86] : memref<4x2xf32, #tpu.memory_space<smem>>
    %get3A_88 = arith.constant 0 : index
    %get3A_89 = arith.constant 0 : index
    %get3A_90 = arith.constant 0 : index
    %get3A_91 = vector.load %arg2[%get3A_88, %get3A_89, %get3A_90] : memref<2x1024x128xf32, #tpu.memory_space<vmem>>, vector<1x1024x128xf32>
    %get3A_92 = vector.shape_cast %get3A_91 : vector<1x1024x128xf32> to vector<1024x128xf32>
    %mul3A_93 = vector.broadcast %get3A_87 : f32 to vector<1024x128xf32>
    %mul3A_94 = arith.mulf %mul3A_93, %get3A_92 : vector<1024x128xf32>
    %get3A_95 = arith.constant 3 : index
    %get3A_96 = arith.constant 1 : index
    %get3A_97 = memref.load %arg3[%get3A_95, %get3A_96] : memref<4x2xf32, #tpu.memory_space<smem>>
    %get3A_98 = arith.constant 1 : index
    %get3A_99 = arith.constant 0 : index
    %get3A_100 = arith.constant 0 : index
    %get3A_101 = vector.load %arg2[%get3A_98, %get3A_99, %get3A_100] : memref<2x1024x128xf32, #tpu.memory_space<vmem>>, vector<1x1024x128xf32>
    %get3A_102 = vector.shape_cast %get3A_101 : vector<1x1024x128xf32> to vector<1024x128xf32>
    %mul3A_103 = vector.broadcast %get3A_97 : f32 to vector<1024x128xf32>
    %mul3A_104 = arith.mulf %mul3A_103, %get3A_102 : vector<1024x128xf32>
    %add3A_105 = arith.addf %mul3A_94, %mul3A_104 : vector<1024x128xf32>
    %dot_general3A_106 = arith.constant dense<0.000000e+00> : vector<640x128xf32>
    %dot_general3A_107 = tpu.matmul %get3A_1, %add3A_105, %dot_general3A_106 {dimension_numbers = #tpu.dot_dimension_numbers<[1], [0], [0], [1], [0, 0, 1, 1], [], []>, transpose_lhs_hint = false} : vector<640x1024xf32>, vector<1024x128xf32>, vector<640x128xf32> -> vector<640x128xf32>
    %swap3A_108 = arith.constant 3 : index
    %swap3A_109 = arith.constant 0 : index
    %swap3A_110 = arith.constant 0 : index
    %swap3A_111 = vector.load %arg4[%swap3A_108, %swap3A_109, %swap3A_110] : memref<4x640x128xf32, #tpu.memory_space<vmem>>, vector<1x640x128xf32>
    %swap3A_112 = vector.shape_cast %swap3A_111 : vector<1x640x128xf32> to vector<640x128xf32>
    %swap3A_113 = vector.shape_cast %dot_general3A_107 : vector<640x128xf32> to vector<1x640x128xf32>
    tpu.vector_store %arg4[%swap3A_108, %swap3A_109, %swap3A_110], %swap3A_113 {strides = array<i32>} : memref<4x640x128xf32, #tpu.memory_space<vmem>>, vector<1x640x128xf32>,
    return
  }
  func.func @transform_0(%arg0: i32) -> (i32, i32) {
    %c0_i32 = arith.constant 0 : i32
    %c0_i32_0 = arith.constant 0 : i32
    return %arg0, %c0_i32 : i32, i32
  }
  func.func @transform_1(%arg0: i32) -> (i32, i32, i32) {
    %c0_i32 = arith.constant 0 : i32
    %c0_i32_0 = arith.constant 0 : i32
    %c0_i32_1 = arith.constant 0 : i32
    %c0_i32_2 = arith.constant 0 : i32
    return %c0_i32, %c0_i32_0, %c0_i32_1 : i32, i32, i32
  }
  func.func @transform_2(%arg0: i32) -> (i32, i32) {
    %c0_i32 = arith.constant 0 : i32
    %c0_i32_0 = arith.constant 0 : i32
    %c0_i32_1 = arith.constant 0 : i32
    return %c0_i32, %c0_i32_0 : i32, i32
  }
  func.func @transform_3(%arg0: i32) -> (i32, i32, i32) {
    %c0_i32 = arith.constant 0 : i32
    %c0_i32_0 = arith.constant 0 : i32
    %c0_i32_1 = arith.constant 0 : i32
    return %c0_i32, %arg0, %c0_i32_0 : i32, i32, i32
  }
}

module attributes {stable_mosaic.version = 14 : i64} {
  func.func @_sm_body(%arg0: memref<2x1280x128xf32, #tpu.memory_space<vmem>>, %arg1: memref<1280x128xf32, #tpu.memory_space<vmem>>) attributes {dimension_semantics = [], scalar_prefetch = 0 : i64, scratch_operands = 0 : i64, tpu.core_type = #tpu.core_type<tc>} {
    %get3A = arith.constant 0 : index
    %get3A_0 = arith.constant 0 : index
    %get3A_1 = arith.constant 0 : index
    %get3A_2 = vector.load %arg0[%get3A, %get3A_0, %get3A_1] : memref<2x1280x128xf32, #tpu.memory_space<vmem>>, vector<1x1280x128xf32>
    %get3A_3 = vector.shape_cast %get3A_2 : vector<1x1280x128xf32> to vector<1280x128xf32>
    %get3A_4 = arith.constant 1 : index
    %get3A_5 = arith.constant 0 : index
    %get3A_6 = arith.constant 0 : index
    %get3A_7 = vector.load %arg0[%get3A_4, %get3A_5, %get3A_6] : memref<2x1280x128xf32, #tpu.memory_space<vmem>>, vector<1x1280x128xf32>
    %get3A_8 = vector.shape_cast %get3A_7 : vector<1x1280x128xf32> to vector<1280x128xf32>
    %add3A = arith.addf %get3A_3, %get3A_8 : vector<1280x128xf32>
    %slice3A = vector.extract_strided_slice %add3A {offsets = [0, 0], sizes = [1280, 16], strides = [1, 1]} : vector<1280x128xf32> to vector<1280x16xf32>
    %reduce_max3A = arith.constant dense<0xFF800000> : vector<1280xf32>
    %reduce_max3A_9 = vector.multi_reduction <maximumf>, %slice3A, %reduce_max3A [1] : vector<1280x16xf32> to vector<1280xf32>
    %broadcast_in_dim3A = vector.shape_cast %reduce_max3A_9 : vector<1280xf32> to vector<1280x1xf32>
    %sub3A = vector.broadcast %broadcast_in_dim3A : vector<1280x1xf32> to vector<1280x16xf32>
    %sub3A_10 = arith.subf %slice3A, %sub3A : vector<1280x16xf32>
    %exp3A = math.exp %sub3A_10 : vector<1280x16xf32>
    %reduce_sum3A = arith.constant dense<0.000000e+00> : vector<1280xf32>
    %reduce_sum3A_11 = vector.multi_reduction <add>, %exp3A, %reduce_sum3A [1] : vector<1280x16xf32> to vector<1280xf32>
    %broadcast_in_dim3A_12 = vector.shape_cast %reduce_sum3A_11 : vector<1280xf32> to vector<1280x1xf32>
    %div3A = vector.broadcast %broadcast_in_dim3A_12 : vector<1280x1xf32> to vector<1280x16xf32>
    %div3A_13 = arith.divf %exp3A, %div3A : vector<1280x16xf32>
    %slice3A_14 = vector.extract_strided_slice %add3A {offsets = [0, 16], sizes = [1280, 16], strides = [1, 1]} : vector<1280x128xf32> to vector<1280x16xf32>
    %reduce_max3A_15 = arith.constant dense<0xFF800000> : vector<1280xf32>
    %reduce_max3A_16 = vector.multi_reduction <maximumf>, %slice3A_14, %reduce_max3A_15 [1] : vector<1280x16xf32> to vector<1280xf32>
    %broadcast_in_dim3A_17 = vector.shape_cast %reduce_max3A_16 : vector<1280xf32> to vector<1280x1xf32>
    %sub3A_18 = vector.broadcast %broadcast_in_dim3A_17 : vector<1280x1xf32> to vector<1280x16xf32>
    %sub3A_19 = arith.subf %slice3A_14, %sub3A_18 : vector<1280x16xf32>
    %exp3A_20 = math.exp %sub3A_19 : vector<1280x16xf32>
    %reduce_sum3A_21 = arith.constant dense<0.000000e+00> : vector<1280xf32>
    %reduce_sum3A_22 = vector.multi_reduction <add>, %exp3A_20, %reduce_sum3A_21 [1] : vector<1280x16xf32> to vector<1280xf32>
    %broadcast_in_dim3A_23 = vector.shape_cast %reduce_sum3A_22 : vector<1280xf32> to vector<1280x1xf32>
    %div3A_24 = vector.broadcast %broadcast_in_dim3A_23 : vector<1280x1xf32> to vector<1280x16xf32>
    %div3A_25 = arith.divf %exp3A_20, %div3A_24 : vector<1280x16xf32>
    %slice3A_26 = vector.extract_strided_slice %add3A {offsets = [0, 32], sizes = [1280, 16], strides = [1, 1]} : vector<1280x128xf32> to vector<1280x16xf32>
    %reduce_max3A_27 = arith.constant dense<0xFF800000> : vector<1280xf32>
    %reduce_max3A_28 = vector.multi_reduction <maximumf>, %slice3A_26, %reduce_max3A_27 [1] : vector<1280x16xf32> to vector<1280xf32>
    %broadcast_in_dim3A_29 = vector.shape_cast %reduce_max3A_28 : vector<1280xf32> to vector<1280x1xf32>
    %sub3A_30 = vector.broadcast %broadcast_in_dim3A_29 : vector<1280x1xf32> to vector<1280x16xf32>
    %sub3A_31 = arith.subf %slice3A_26, %sub3A_30 : vector<1280x16xf32>
    %exp3A_32 = math.exp %sub3A_31 : vector<1280x16xf32>
    %reduce_sum3A_33 = arith.constant dense<0.000000e+00> : vector<1280xf32>
    %reduce_sum3A_34 = vector.multi_reduction <add>, %exp3A_32, %reduce_sum3A_33 [1] : vector<1280x16xf32> to vector<1280xf32>
    %broadcast_in_dim3A_35 = vector.shape_cast %reduce_sum3A_34 : vector<1280xf32> to vector<1280x1xf32>
    %div3A_36 = vector.broadcast %broadcast_in_dim3A_35 : vector<1280x1xf32> to vector<1280x16xf32>
    %div3A_37 = arith.divf %exp3A_32, %div3A_36 : vector<1280x16xf32>
    %slice3A_38 = vector.extract_strided_slice %add3A {offsets = [0, 48], sizes = [1280, 16], strides = [1, 1]} : vector<1280x128xf32> to vector<1280x16xf32>
    %reduce_max3A_39 = arith.constant dense<0xFF800000> : vector<1280xf32>
    %reduce_max3A_40 = vector.multi_reduction <maximumf>, %slice3A_38, %reduce_max3A_39 [1] : vector<1280x16xf32> to vector<1280xf32>
    %broadcast_in_dim3A_41 = vector.shape_cast %reduce_max3A_40 : vector<1280xf32> to vector<1280x1xf32>
    %sub3A_42 = vector.broadcast %broadcast_in_dim3A_41 : vector<1280x1xf32> to vector<1280x16xf32>
    %sub3A_43 = arith.subf %slice3A_38, %sub3A_42 : vector<1280x16xf32>
    %exp3A_44 = math.exp %sub3A_43 : vector<1280x16xf32>
    %reduce_sum3A_45 = arith.constant dense<0.000000e+00> : vector<1280xf32>
    %reduce_sum3A_46 = vector.multi_reduction <add>, %exp3A_44, %reduce_sum3A_45 [1] : vector<1280x16xf32> to vector<1280xf32>
    %broadcast_in_dim3A_47 = vector.shape_cast %reduce_sum3A_46 : vector<1280xf32> to vector<1280x1xf32>
    %div3A_48 = vector.broadcast %broadcast_in_dim3A_47 : vector<1280x1xf32> to vector<1280x16xf32>
    %div3A_49 = arith.divf %exp3A_44, %div3A_48 : vector<1280x16xf32>
    %slice3A_50 = vector.extract_strided_slice %add3A {offsets = [0, 64], sizes = [1280, 16], strides = [1, 1]} : vector<1280x128xf32> to vector<1280x16xf32>
    %reduce_max3A_51 = arith.constant dense<0xFF800000> : vector<1280xf32>
    %reduce_max3A_52 = vector.multi_reduction <maximumf>, %slice3A_50, %reduce_max3A_51 [1] : vector<1280x16xf32> to vector<1280xf32>
    %broadcast_in_dim3A_53 = vector.shape_cast %reduce_max3A_52 : vector<1280xf32> to vector<1280x1xf32>
    %sub3A_54 = vector.broadcast %broadcast_in_dim3A_53 : vector<1280x1xf32> to vector<1280x16xf32>
    %sub3A_55 = arith.subf %slice3A_50, %sub3A_54 : vector<1280x16xf32>
    %exp3A_56 = math.exp %sub3A_55 : vector<1280x16xf32>
    %reduce_sum3A_57 = arith.constant dense<0.000000e+00> : vector<1280xf32>
    %reduce_sum3A_58 = vector.multi_reduction <add>, %exp3A_56, %reduce_sum3A_57 [1] : vector<1280x16xf32> to vector<1280xf32>
    %broadcast_in_dim3A_59 = vector.shape_cast %reduce_sum3A_58 : vector<1280xf32> to vector<1280x1xf32>
    %div3A_60 = vector.broadcast %broadcast_in_dim3A_59 : vector<1280x1xf32> to vector<1280x16xf32>
    %div3A_61 = arith.divf %exp3A_56, %div3A_60 : vector<1280x16xf32>
    %slice3A_62 = vector.extract_strided_slice %add3A {offsets = [0, 80], sizes = [1280, 16], strides = [1, 1]} : vector<1280x128xf32> to vector<1280x16xf32>
    %reduce_max3A_63 = arith.constant dense<0xFF800000> : vector<1280xf32>
    %reduce_max3A_64 = vector.multi_reduction <maximumf>, %slice3A_62, %reduce_max3A_63 [1] : vector<1280x16xf32> to vector<1280xf32>
    %broadcast_in_dim3A_65 = vector.shape_cast %reduce_max3A_64 : vector<1280xf32> to vector<1280x1xf32>
    %sub3A_66 = vector.broadcast %broadcast_in_dim3A_65 : vector<1280x1xf32> to vector<1280x16xf32>
    %sub3A_67 = arith.subf %slice3A_62, %sub3A_66 : vector<1280x16xf32>
    %exp3A_68 = math.exp %sub3A_67 : vector<1280x16xf32>
    %reduce_sum3A_69 = arith.constant dense<0.000000e+00> : vector<1280xf32>
    %reduce_sum3A_70 = vector.multi_reduction <add>, %exp3A_68, %reduce_sum3A_69 [1] : vector<1280x16xf32> to vector<1280xf32>
    %broadcast_in_dim3A_71 = vector.shape_cast %reduce_sum3A_70 : vector<1280xf32> to vector<1280x1xf32>
    %div3A_72 = vector.broadcast %broadcast_in_dim3A_71 : vector<1280x1xf32> to vector<1280x16xf32>
    %div3A_73 = arith.divf %exp3A_68, %div3A_72 : vector<1280x16xf32>
    %slice3A_74 = vector.extract_strided_slice %add3A {offsets = [0, 96], sizes = [1280, 16], strides = [1, 1]} : vector<1280x128xf32> to vector<1280x16xf32>
    %reduce_max3A_75 = arith.constant dense<0xFF800000> : vector<1280xf32>
    %reduce_max3A_76 = vector.multi_reduction <maximumf>, %slice3A_74, %reduce_max3A_75 [1] : vector<1280x16xf32> to vector<1280xf32>
    %broadcast_in_dim3A_77 = vector.shape_cast %reduce_max3A_76 : vector<1280xf32> to vector<1280x1xf32>
    %sub3A_78 = vector.broadcast %broadcast_in_dim3A_77 : vector<1280x1xf32> to vector<1280x16xf32>
    %sub3A_79 = arith.subf %slice3A_74, %sub3A_78 : vector<1280x16xf32>
    %exp3A_80 = math.exp %sub3A_79 : vector<1280x16xf32>
    %reduce_sum3A_81 = arith.constant dense<0.000000e+00> : vector<1280xf32>
    %reduce_sum3A_82 = vector.multi_reduction <add>, %exp3A_80, %reduce_sum3A_81 [1] : vector<1280x16xf32> to vector<1280xf32>
    %broadcast_in_dim3A_83 = vector.shape_cast %reduce_sum3A_82 : vector<1280xf32> to vector<1280x1xf32>
    %div3A_84 = vector.broadcast %broadcast_in_dim3A_83 : vector<1280x1xf32> to vector<1280x16xf32>
    %div3A_85 = arith.divf %exp3A_80, %div3A_84 : vector<1280x16xf32>
    %slice3A_86 = vector.extract_strided_slice %add3A {offsets = [0, 112], sizes = [1280, 16], strides = [1, 1]} : vector<1280x128xf32> to vector<1280x16xf32>
    %reduce_max3A_87 = arith.constant dense<0xFF800000> : vector<1280xf32>
    %reduce_max3A_88 = vector.multi_reduction <maximumf>, %slice3A_86, %reduce_max3A_87 [1] : vector<1280x16xf32> to vector<1280xf32>
    %broadcast_in_dim3A_89 = vector.shape_cast %reduce_max3A_88 : vector<1280xf32> to vector<1280x1xf32>
    %sub3A_90 = vector.broadcast %broadcast_in_dim3A_89 : vector<1280x1xf32> to vector<1280x16xf32>
    %sub3A_91 = arith.subf %slice3A_86, %sub3A_90 : vector<1280x16xf32>
    %exp3A_92 = math.exp %sub3A_91 : vector<1280x16xf32>
    %reduce_sum3A_93 = arith.constant dense<0.000000e+00> : vector<1280xf32>
    %reduce_sum3A_94 = vector.multi_reduction <add>, %exp3A_92, %reduce_sum3A_93 [1] : vector<1280x16xf32> to vector<1280xf32>
    %broadcast_in_dim3A_95 = vector.shape_cast %reduce_sum3A_94 : vector<1280xf32> to vector<1280x1xf32>
    %div3A_96 = vector.broadcast %broadcast_in_dim3A_95 : vector<1280x1xf32> to vector<1280x16xf32>
    %div3A_97 = arith.divf %exp3A_92, %div3A_96 : vector<1280x16xf32>
    %concatenate3A = tpu.concatenate %div3A_13, %div3A_25, %div3A_37, %div3A_49, %div3A_61, %div3A_73, %div3A_85, %div3A_97 in 1 : vector<1280x16xf32>, vector<1280x16xf32>, vector<1280x16xf32>, vector<1280x16xf32>, vector<1280x16xf32>, vector<1280x16xf32>, vector<1280x16xf32>, vector<1280x16xf32> -> vector<1280x128xf32>
    %swap3A = arith.constant 0 : index
    %swap3A_98 = arith.constant 0 : index
    %swap3A_99 = vector.load %arg1[%swap3A, %swap3A_98] : memref<1280x128xf32, #tpu.memory_space<vmem>>, vector<1280x128xf32>
    tpu.vector_store %arg1[%swap3A, %swap3A_98], %concatenate3A {strides = array<i32>} : memref<1280x128xf32, #tpu.memory_space<vmem>>, vector<1280x128xf32>,
    return
  }
}

</mosaic_0001>

<sc_bundles>
// kernel: kernel.5.cloned.1.call-start
scs
__scs_entry_jumppad:
0x0: {  	(pc) =	sbr.rel $0x88, $3  }
0x1: {  	(tag) =	ssettag $0x0;
	lr =	simm.s32 $0x1  }
0x2: {  	[smem:$0x3F9C] =	sst lr;
	_ =	strace $0xD0000000  }
0x3: {  	_ = 	snop  }
0x4: {  	_ = 	snop  }
0x5: {  	_ = 	snop  }
0x6: {  	_ = 	snop  }
0x7: {  	_ = 	snop  }
__scs_overlays_trampoline_lowered:
0x8: {  	[smem:$0x3FAB] =	sst s0  }
0x9: {  	[smem:$0x3FAC] =	sst s1  }
0xa: {  	[smem:$0x3FAD] =	sst s2  }
0xb: {  	[smem:$0x3FAE] =	sst s3  }
0xc: {  	[smem:$0x3FAF] =	sst s4  }
0xd: {  	[smem:$0x3FB0] =	sst s5  }
0xe: {  	[smem:$0x3FB1] =	sst s6  }
0xf: {  	[smem:$0x3FB2] =	sst s7  }
0x10: {  	[smem:$0x3FB3] =	sst s8  }
0x11: {  	[smem:$0x3FB4] =	sst s9;
	s0 =	simm.s32 @!p0 $0x0  }
0x12: {  	s1 =	sld [smem:$0x3F9A];
	s0 =	simm.s32 @p0 $0x1  }
0x13: {  	[smem:$0x3FB5] =	sst s0;
	s0 =	simm.s32 @!p1 $0x0  }
0x14: {  	s2 =	sld [smem:$0x3F99];
	s0 =	simm.s32 @p1 $0x1  }
0x15: {  	[smem:$0x3FB6] =	sst s0;
	s0 =	simm.s32 @!p2 $0x0  }
0x16: {  	s3 =	sld [smem:$0x3FDB];
	s0 =	simm.s32 @p2 $0x1  }
0x17: {  	s4 =	simm.s32 $0x1BF5;
	[smem:$0x3FB8] =	sst s0  }
0x18: {  	s0 =	sld [smem:$0x3F9B];
	_ =	swait.ge [sflag:s4], $0x0  }
0x19: {  	s7 =	sld [smem:$0x3F9C]  }
0x1a: {  	s8 =	sadd.s32 $0xFFFFE003, lr  }
0x1b: {  	s9 =	sadd.s32 $0xFFFFFEF7, lr;
	s5 =	simm.s32 $0xFFFFFFFF;
	p2 =	slt.u32 s8, $0xFFFFF086  }
0x1c: {  	p1 =	slt.u32 s9, $0xF7A;
	s5 =	simm.s32 @!p2 $0x0  }
0x1d: {  	s5 =	simm.s32 @p1 $0x1;
	p0 =	seq.s32 s7, s2  }
0x1e: {  	s7 =	smul.u32 @!p0 $0xF7A, s2;
	p2 =	seq.s32 @!p0 s5, $0x0  }
0x1f: {  	s9 =	smul.u32 $0xF7A, s1;
	s8 =	simm.s32 @!p0 $0x1BF5;
	p2 =	por !p2, p0  }
0x20: {  	[sflag:s8] =	ssyncset.s32 @!p0 $0xFFFFF086;
	s6 =	sadd.s32 @!p0 s3, s7;
	s7 =	simm.s32 @!p0 $0x108  }
0x21: {  	s3 =	sadd.s32 s3, s9;
	s6 =	sadd.s32 @!p0 $0x88, s6;
	s7 =	simm.s32 @p2 $0x1082  }
0x22: {  	[simem:s7], [sflag:s8] =	dma.local @!p0 [hbm:s6], $0xF7A  }
0x23: {  	s9 =	sor.u32 $0xD0000000, s2;
	s6 =	simm.s32 $0x108;
	_ =	swait.ge @!p0 [sflag:s8], $0x0  }
0x24: {  	s3 =	sadd.s32 $0x88, s3;
	s6 =	simm.s32 @!p1 $0x1082;
	[sflag:s4] =	ssyncset.s32 $0xFFFFF086  }
0x25: {  	[simem:s6], [sflag:s4] =	dma.local [hbm:s3], $0xF7A  }
0x26: {  	[smem:$0x3F9C] =	sst s1;
	(tag) =	ssettag s2;
	_ =	strace s9  }
0x27: {  	s1 =	sld [smem:$0x3FAC]  }
0x28: {  	s2 =	sld [smem:$0x3FAD]  }
0x29: {  	s4 =	sld [smem:$0x3FAF]  }
0x2a: {  	p0 =	seq.s32 s5, $0x0;
	s5 =	sld [smem:$0x3FB0]  }
0x2b: {  	s6 =	sld [smem:$0x3FB1]  }
0x2c: {  	s7 =	sld [smem:$0x3FB2]  }
0x2d: {  	s3 =	simm.s32 $0x108;
	s8 =	sld [smem:$0x3FB3]  }
0x2e: {  	s3 =	simm.s32 @!p0 $0x1082;
	s9 =	sld [smem:$0x3FB4]  }
0x2f: {  	lr =	sadd.s32 s0, s3;
	s0 =	sld [smem:$0x3FAB]  }
0x30: {  	s3 =	sld [smem:$0x3FAE]  }
0x31: {  	[smem:$0x3FB7] =	sst s10  }
0x32: {  	s10 =	sld [smem:$0x3FB5];
	_ =	sdelay $0x3  }
0x33: {  	p0 =	seq.s32 s10, $0x1;
	s10 =	sld [smem:$0x3FB7];
	_ =	sdelay $0x3  }
0x34: {  	[smem:$0x3FB7] =	sst s10  }
0x35: {  	s10 =	sld [smem:$0x3FB6];
	_ =	sdelay $0x3  }
0x36: {  	p1 =	seq.s32 s10, $0x1;
	s10 =	sld [smem:$0x3FB7];
	_ =	sdelay $0x3  }
0x37: {  	[smem:$0x3FB7] =	sst s10  }
0x38: {  	s10 =	sld [smem:$0x3FB8]  }
0x39: {  	_ = 	snop;
	(pc) =	sbr.ind lr, $3  }
0x3a: {  	_ = 	snop  }
0x3b: {  	_ = 	snop  }
0x3c: {  	p2 =	seq.s32 s10, $0x1;
	s10 =	sld [smem:$0x3FB7]  }
0x3d: {  	_ =	shalt  }
0x3e: {  	_ =	shalt  }
0x3f: {  	_ =	shalt  }
0x40: {  	_ =	shalt  }
0x41: {  	_ =	shalt  }
0x42: {  	_ =	shalt  }
0x43: {  	_ =	shalt  }
0x44: {  	_ =	shalt  }
0x45: {  	_ =	shalt  }
0x46: {  	_ =	shalt  }
0x47: {  	_ =	shalt  }
0x48: {  	_ =	shalt  }
0x49: {  	_ =	shalt  }
0x4a: {  	_ =	shalt  }
0x4b: {  	_ =	shalt  }
0x4c: {  	_ =	shalt  }
0x4d: {  	_ =	shalt  }
0x4e: {  	_ =	shalt  }
0x4f: {  	_ =	shalt  }
0x50: {  	_ =	shalt  }
0x51: {  	_ =	shalt  }
0x52: {  	_ =	shalt  }
0x53: {  	_ =	shalt  }
0x54: {  	_ =	shalt  }
0x55: {  	_ =	shalt  }
0x56: {  	_ =	shalt  }
0x57: {  	_ =	shalt  }
0x58: {  	_ =	shalt  }
0x59: {  	_ =	shalt  }
0x5a: {  	_ =	shalt  }
0x5b: {  	_ =	shalt  }
0x5c: {  	_ =	shalt  }
0x5d: {  	_ =	shalt  }
0x5e: {  	_ =	shalt  }
0x5f: {  	_ =	shalt  }
0x60: {  	_ =	shalt  }
0x61: {  	_ =	shalt  }
0x62: {  	_ =	shalt  }
0x63: {  	_ =	shalt  }
0x64: {  	_ =	shalt  }
0x65: {  	_ =	shalt  }
0x66: {  	_ =	shalt  }
0x67: {  	_ =	shalt  }
0x68: {  	_ =	shalt  }
0x69: {  	_ =	shalt  }
0x6a: {  	_ =	shalt  }
0x6b: {  	_ =	shalt  }
0x6c: {  	_ =	shalt  }
0x6d: {  	_ =	shalt  }
0x6e: {  	_ =	shalt  }
0x6f: {  	_ =	shalt  }
0x70: {  	_ =	shalt  }
0x71: {  	_ =	shalt  }
0x72: {  	_ =	shalt  }
0x73: {  	_ =	shalt  }
0x74: {  	_ =	shalt  }
0x75: {  	_ =	shalt  }
0x76: {  	_ =	shalt  }
0x77: {  	_ =	shalt  }
0x78: {  	_ =	shalt  }
0x79: {  	_ =	shalt  }
0x7a: {  	_ =	shalt  }
0x7b: {  	_ =	shalt  }
0x7c: {  	_ =	shalt  }
0x7d: {  	_ =	shalt  }
0x7e: {  	_ =	shalt  }
0x7f: {  	_ =	shalt  }
0x80: {  	_ =	shalt  }
0x81: {  	_ =	shalt  }
0x82: {  	_ =	shalt  }
0x83: {  	_ =	shalt  }
0x84: {  	_ =	shalt  }
0x85: {  	_ =	shalt  }
0x86: {  	_ =	shalt  }
0x87: {  	_ =	shalt  }
.Lfunc_end0:
.L_simem_size_0:
called_computation_lowered:
.L_overlay_start_0:
0x88: {  	s2 =	sld [smem:$0x3FD9]  }
0x89: {  	s3 =	sld [smem:$0x3FFE];
	_ =	sdelay $0x1  }
0x8a: {  	s1 =	srdreg.scid  }
0x8b: {  	s0 =	sand.u32 $0x1, s1  }
0x8c: {  	s16 =	sshll.u32 s0, $0xA;
	s2 =	sadd.s32 s3, s2  }
0x8d: {  	s2 =	sadd.s32 s2, s16  }
0x8e: {  	[smem:$0x3FC3] =	sst s2  }
0x8f: {  	_ = 	snop  }
0x90: {  	(tm) =	ssettm $0x1  }
0x91: {  	s17 =	sld [smem:$0x3FFB];
	_ =	sdelay $0x3  }
0x92: {  	_ =	strace s17  }
0x93: {  	s2 =	sld [smem:$0x3FFC];
	_ =	sdelay $0x3  }
0x94: {  	_ =	strace s2  }
0x95: {  	s2 =	sld [smem:$0x3FFD];
	_ =	sdelay $0x3  }
0x96: {  	_ =	strace s2  }
0x97: {  	_ =	strace $0x8FFFFFFF  }
0x98: {  	s18 =	sld [smem:$0x3FDB];
	_ =	sdelay $0x1  }
0x99: {  	s19 =	simm.s32 $_scs_section_size  }
0x9a: {  	s4 =	simm.s32 $_size__tile_overlayer_lowered;
	s5 =	simm.s32 $_tile_overlayer_lowered  }
0x9b: {  	s22 =	simm.s32 $0x1BFF;
	s21 =	sshll.u32 s5, $0x1;
	s2 =	sadd.s32 s19, s18  }
0x9c: {  	s6 =	simm.s32 $0x0;
	s20 =	sshll.u32 s4, $0x1;
	s4 =	sadd.s32 s21, s2  }
0x9d: {  	[timem:s6], [sflag:s22] =	dma.local [hbm:s4], s20  }
0x9e: {  	_ =	swait.ge [sflag:s22], s20  }
0x9f: {  	s3 =	ssub.s32 $0x0, s20;
	[sflag:s22] =	ssyncset.done $0x0  }
0xa0: {  	[sflag:s22] =	ssyncadd.s32 s3;
	_ =	sdelay $0x1  }
0xa1: {  	s23 =	simm.s32 $0x1B8B  }
0xa2: {  	_ =	swait.ge [sflag:s23], $0x1  }
0xa3: {  	[sflag:s23] =	ssyncset.done $0x0  }
0xa4: {  	s25 =	simm.s32 $0x1B8E;
	s24 =	sld [smem:$0x3FFE];
	[sflag:s23] =	ssyncadd.s32 $0xFFFFFFFF  }
0xa5: {  	s26 =	simm.s32 $execute0_lowered;
	[smem:$0x3FD2] =	sst s25  }
0xa6: {  	s4 =	sshll.u32 s26, $0x1;
	_ =	strace $0x80000046;
	[dreg:$0x1] =	wrdreg $0xFFFFFFFF  }
0xa7: {  	s28 =	simm.s32 $_size_execute0_lowered;
	s2 =	sadd.s32 s2, s4;
	[dreg:$0x0] =	wrdreg $0x0  }
0xa8: {  	s4 =	sshll.u32 s28, $0x1;
	[dreg:$0x2] =	wrdreg s2  }
0xa9: {  	[dreg:$0x3] =	wrdreg s4  }
0xaa: {  	[dreg:$0x4] =	wrdreg $0xC0  }
0xab: {  	_ =	task [dreg:s6], $0x5FFFF  }
0xac: {  	[dreg:$0x1] =	wrdreg $0xFFFFFFFF  }
0xad: {  	[dreg:$0x0] =	wrdreg $0x60  }
0xae: {  	[dreg:$0x2] =	wrdreg s24  }
0xaf: {  	[dreg:$0x3] =	wrdreg $0x50000  }
0xb0: {  	[dreg:$0x4] =	wrdreg $0x78000  }
0xb1: {  	[dreg:$0x5] =	wrdreg $0x9  }
0xb2: {  	_ =	task.clear_ibuf [dreg:s6], $0x6FFFF;
	_ =	strace $0x90000046  }
0xb3: {  	s29 =	simm.s32 $0x9;
	_ =	strace $0x80000048  }
0xb4: {  	_ =	swait.ge [sflag:s29], $0x1  }
0xb5: {  	[sflag:s29] =	ssyncadd.s32 $0xFFFFFFFF  }
0xb6: {  	_ =	strace $0x90000048  }
0xb7: {  	_ =	sfence  }
0xb8: {  	s30 =	sld [smem:$0x0];
	_ =	sdelay $0x2  }
0xb9: {  	s31 =	sshll.u32 s1, $0xD;
	s1 =	sshrl.u32 s1, $0x2  }
0xba: {  	s3 =	sand.u32 $0x4000, s31;
	s1 =	sadd.s32 s1, s30  }
0xbb: {  	s0 =	sor.u32 s3, s0;
	s1 =	sshll.u32 s1, $0x11  }
0xbc: {  	s0 =	sor.u32 s1, s0  }
0xbd: {  	s0 =	sadd.s32 $0x8F2B, s0  }
0xbe: {  	[sflag:s0] =	ssyncadd.remote.s32 $0x1  }
0xbf: {  	_ =	sfence.sel $0xFFFF  }
0xc0: {  	[dreg:$0x0] =	wrdreg $0xFFFFFFFF;
	(pc) =	sbr.abs _section_cstart, $3  }
0xc1: {  	[dreg:$0x1] =	wrdreg $0xFFFFFFFF  }
0xc2: {  	_ =	task.clear_ibuf [dreg:s6], $0x2FFFF;
	_ =	strace $0x9FFFFFFF  }
0xc3: {  	(tm) =	ssettm $0x7FFFFFFF  }
tec
execute0_lowered:
.L_overlay_start_1:
0x0: {  	(tag) =	ssettag $0x1  }
0x1: {  	s0 =	rddreg [dreg:$0x0]  }
0x2: {  	s2 =	srdreg.scid;
	s1 =	rddreg [dreg:$0x1]  }
0x3: {  	s11 =	stileid.u32;
	s3 =	rddreg [dreg:$0x2]  }
0x4: {  	s7 =	simm.s32 $0x0;
	s13 =	simm.s32 $0x11;
	s30 =	simm.s32 $0xF000  }
0x5: {  	s31 =	simm.s32 $0x3;
	s29 =	simm.s32 $0x10000;
	s28 =	simm.s32 $0xA  }
0x6: {  	s15 =	simm.s32 $0xE;
	s14 =	simm.s32 $0x10;
	s6 =	smul.u32 $0xA00, s11  }
0x7: {  	s2 =	sand.u32 $0x1, s2;
	[smem:$0x7FF] =	sst s7;
	s16 =	smul.u32 $0x2800, s11  }
0x8: {  	s10 =	smul.u32 $0x14000, s11;
	s20 =	sshll.u32 s11, $0x6;
	s7 =	simm.s32 $0xB  }
0x9: {  	s4 =	smul.u32 $0xA000, s2;
	s5 =	sshll.u32 s2, $0x4;
	_ =	strace $0x80000047  }
0xa: {  	s17 =	smul.u32 $0x28000, s2;
	s2 =	ssub.s32 $0x2, s2;
	s12 =	sor.u32 $0x1C11, s20  }
0xb: {  	s20 =	simm.s32 $0xD800;
	s5 =	sor.u32 s11, s5;
	s8 =	sshrl.u32 s16, $0x3  }
0xc: {  	s9 =	sshrl.u32 s2, $0x1;
	s18 =	sadd.s32 s16, s1;
	s21 =	sshrl.u32 s10, $0x2  }
0xd: {  	s10 =	simm.s32 $0xD;
	s11 =	simm.s32 $0xF;
	[dreg:$0x5] =	wrdreg s12  }
0xe: {  	s5 =	smul.u32 $0x500, s5;
	s4 =	sadd.s32 s6, s4;
	s8 =	sadd.s32 s8, s0  }
0xf: {  	s6 =	sadd.s32 s16, s17;
	s2 =	ssub.s32 s2, s9;
	s22 =	sadd.s32 s21, s3  }
0x10: {  	s16 =	simm.s32 $0x80;
	s17 =	simm.s32 $0xC800;
	s21 =	simm.s32 $0x4  }
0x11: {  	s9 =	simm.s32 $0xC;
	s4 =	sadd.s32 s4, s0;
	s6 =	sshrl.u32 s6, $0x3  }
0x12: {  	s19 =	sadd.s32 $0x29000, s8;
	s25 =	smax.u32 s2, $0x1;
	s26 =	sshrl.u32 s22, $0x3  }
0x13: {  	s22 =	simm.s32 $0xE000;
	s2 =	simm.s32 $0x5;
	s8 =	simm.s32 $0x8  }
0x14: {  	s5 =	sadd.s32 s5, s0;
	s0 =	sadd.s32 s6, s0;
	[dreg:$0x4] =	wrdreg s19  }
0x15: {  	s4 =	sadd.s32 $0x15000, s4;
	[dreg:$0xa] =	wrdreg s25;
	s6 =	sshrl.u32 s18, $0x3  }
0x16: {  	[dreg:$0xc] =	wrdreg s26;
	s18 =	simm.s32 $0xD000;
	s25 =	simm.s32 $0xE800  }
.Ltmp0:
0x17: {  	s26 =	simm.s32 $0x2;
	[dreg:$0x6] =	wrdreg s4;
	(pc) =	sbr.rel .LBB2_1-.Ltmp0, $4  }
0x18: {  	s19 =	simm.s32 $0xF800;
	s23 =	sadd.s32 $0x1000, s5;
	[dreg:$0xb] =	wrdreg s6  }
0x19: {  	s24 =	sadd.s32 $0xB000, s5;
	s0 =	sadd.s32 $0x2E000, s0;
	[dreg:$0x7] =	wrdreg s23  }
0x1a: {  	s5 =	simm.s32 $0x7;
	s4 =	simm.s32 $0x0;
	[dreg:$0x8] =	wrdreg s24  }
0x1b: {  	[dreg:$0x9] =	wrdreg s0;
	s23 =	simm.s32 $0x1;
	s24 =	simm.s32 $0x9  }
.LBB2_4:
0x1c: {  	_ =	swait.ge [sflag:s8], $0x800  }
0x1d: {  	[sflag:s8] =	ssyncset.done $0x0  }
0x1e: {  	s24 =	simm.s32 $0x9;
	[sflag:s8] =	ssyncadd.s32 $0xFFFFF800  }
0x1f: {  	[spmem:s1] =	stream.indirect.scatter.add.f32 [tilespmem:s29], [sflag:$0x10], $0x10, s6, s16, $0xb8;
	[tilespmem:$0x10800] =	vst v63  }
0x20: {  	_ =	swait.ge [sflag:s24], $0x800  }
0x21: {  	[sflag:s24] =	ssyncset.done $0x0  }
0x22: {  	s28 =	simm.s32 $0xA;
	[sflag:s24] =	ssyncadd.s32 $0xFFFFF800  }
0x23: {  	_ =	swait.ge [sflag:s28], $0x800  }
0x24: {  	[sflag:s28] =	ssyncset.done $0x0  }
0x25: {  	[sflag:s28] =	ssyncadd.s32 $0xFFFFF800  }
0x26: {  	_ =	swait.ge [sflag:s7], $0x800  }
0x27: {  	[sflag:s7] =	ssyncset.done $0x0  }
0x28: {  	[sflag:s7] =	ssyncadd.s32 $0xFFFFF800  }
0x29: {  	_ =	swait.ge [sflag:s9], $0x800  }
0x2a: {  	[sflag:s9] =	ssyncset.done $0x0  }
0x2b: {  	[sflag:s9] =	ssyncadd.s32 $0xFFFFF800  }
0x2c: {  	_ =	swait.ge [sflag:s10], $0x800  }
0x2d: {  	[sflag:s10] =	ssyncset.done $0x0  }
0x2e: {  	[sflag:s10] =	ssyncadd.s32 $0xFFFFF800  }
0x2f: {  	_ =	swait.ge [sflag:s15], $0x800  }
0x30: {  	[sflag:s15] =	ssyncset.done $0x0  }
0x31: {  	[sflag:s15] =	ssyncadd.s32 $0xFFFFF800  }
0x32: {  	_ =	swait.ge [sflag:s11], $0x800  }
0x33: {  	[sflag:s11] =	ssyncset.done $0x0  }
0x34: {  	[sflag:s11] =	ssyncadd.s32 $0xFFFFF800  }
0x35: {  	_ =	swait.ge [sflag:s14], $0x800  }
0x36: {  	[sflag:s14] =	ssyncset.done $0x0  }
0x37: {  	[sflag:s14] =	ssyncadd.s32 $0xFFFFF800  }
0x38: {  	[bflag:$0x0] =	sbarrier.arrive $0xFFFF  }
0x39: {  	s12 =	rddreg [dreg:$0x5]  }
0x3a: {  	s0 =	rddreg [dreg:$0x9]  }
0x3b: {  	s13 =	simm.s32 $0x11;
	s6 =	rddreg [dreg:$0xb]  }
0x3c: {  	[hbm:s0], [sflag:s12] =	dma.local [spmem:s6], $0x500  }
0x3d: {  	_ =	swait.ge [sflag:s13], $0x500  }
0x3e: {  	s4 =	sadd.s32 $0x1, s4;
	s0 =	rddreg [dreg:$0xa]  }
0x3f: {  	p0 =	sne.s32 s4, s0  }
.Ltmp1:
0x40: {  	_ = 	snop;
	(pc) =	sbr.rel @!p0 .LBB2_5-.Ltmp1, $3  }
0x41: {  	_ =	sdelay $0x1  }
0x42: {  	[sflag:s13] =	ssyncset.done $0x0  }
0x43: {  	[sflag:s13] =	ssyncadd.s32 $0xFFFFFB00  }
.LBB2_1:
0x44: {  	s0 =	rddreg [dreg:$0x4]  }
0x45: {  	[spmem:s6], [sflag:s12] =	dma.local [hbm:s0], $0x500  }
0x46: {  	_ =	swait.ge [sflag:s13], $0x500  }
0x47: {  	[sflag:s13] =	ssyncset.done $0x0;
	s0 =	rddreg [dreg:$0x6]  }
0x48: {  	s6 =	rddreg [dreg:$0xc];
	[sflag:s13] =	ssyncadd.s32 $0xFFFFFB00  }
0x49: {  	[spmem:s6], [sflag:s12] =	dma.local [hbm:s0], $0xA00  }
0x4a: {  	_ =	swait.ge [sflag:s13], $0xA00  }
0x4b: {  	[sflag:s13] =	ssyncset.done $0x0  }
0x4c: {  	s0 =	simm.s32 $0x0;
	s12 =	rddreg [dreg:$0x7];
	[sflag:s13] =	ssyncadd.s32 $0xFFFFF600  }
0x4d: {  	[tilespmem:s0], [sflag:$0x11] =	stream.linear.gather [hbm4b:s12+s0], $0x2800, $0x38;
	[tilespmem:$0x10800] =	vst v63  }
0x4e: {  	_ =	swait.ge [sflag:s13], $0x2800  }
0x4f: {  	[sflag:s13] =	ssyncset.done $0x0  }
0x50: {  	s12 =	simm.s32 $0x2800;
	s6 =	rddreg [dreg:$0x8];
	[sflag:s13] =	ssyncadd.s32 $0xFFFFD800  }
0x51: {  	[tilespmem:s12], [sflag:$0x11] =	stream.linear.gather [hbm4b:s6+s0], $0x2800, $0x38;
	[tilespmem:$0x10800] =	vst v63  }
0x52: {  	_ =	swait.ge [sflag:s13], $0x2800  }
0x53: {  	[sflag:s13] =	ssyncset.done $0x0  }
0x54: {  	[sflag:s13] =	ssyncadd.s32 $0xFFFFD800  }
0x55: {  	[bflag:$0x0] =	sbarrier.arrive $0xFFFF  }
0x56: {  	[tilespmem:s17], [sflag:$0x1] =	stream.indirect.gather [spmem:s3], $0x10, s0, s16, $0xb8;
	[tilespmem:$0x10800] =	vst v63  }
0x57: {  	_ = 	snop  }
0x58: {  	[tilespmem:s18], [sflag:$0x2] =	stream.indirect.gather [spmem:s3], $0x10, s16, s16, $0xb8;
	[tilespmem:$0x10800] =	vst v63  }
0x59: {  	s13 =	simm.s32 $0x100  }
0x5a: {  	[tilespmem:s20], [sflag:$0x3] =	stream.indirect.gather [spmem:s3], $0x10, s13, s16, $0xb8;
	[tilespmem:$0x10800] =	vst v63  }
0x5b: {  	s6 =	simm.s32 $0x180  }
0x5c: {  	[tilespmem:s22], [sflag:$0x4] =	stream.indirect.gather [spmem:s3], $0x10, s6, s16, $0xb8;
	[tilespmem:$0x10800] =	vst v63  }
0x5d: {  	_ =	swait.ge [sflag:s23], $0x800  }
0x5e: {  	[sflag:s23] =	ssyncset.done $0x0  }
0x5f: {  	[sflag:s23] =	ssyncadd.s32 $0xFFFFF800  }
0x60: {  	[spmem:s1] =	stream.indirect.scatter.add.f32 [tilespmem:s17], [sflag:$0x9], $0x10, s12, s16, $0xb8;
	[tilespmem:$0x10800] =	vst v63  }
0x61: {  	s13 =	simm.s32 $0x200  }
0x62: {  	[tilespmem:s25], [sflag:$0x5] =	stream.indirect.gather [spmem:s3], $0x10, s13, s16, $0xb8;
	[tilespmem:$0x10800] =	vst v63  }
0x63: {  	_ =	swait.ge [sflag:s26], $0x800  }
0x64: {  	[sflag:s26] =	ssyncset.done $0x0  }
0x65: {  	s6 =	simm.s32 $0x2880;
	[sflag:s26] =	ssyncadd.s32 $0xFFFFF800  }
0x66: {  	[spmem:s1] =	stream.indirect.scatter.add.f32 [tilespmem:s18], [sflag:$0xA], $0x10, s6, s16, $0xb8;
	[tilespmem:$0x10800] =	vst v63  }
0x67: {  	s12 =	simm.s32 $0x280  }
0x68: {  	[tilespmem:s30], [sflag:$0x6] =	stream.indirect.gather [spmem:s3], $0x10, s12, s16, $0xb8;
	[tilespmem:$0x10800] =	vst v63  }
0x69: {  	_ =	swait.ge [sflag:s31], $0x800  }
0x6a: {  	[sflag:s31] =	ssyncset.done $0x0  }
0x6b: {  	s13 =	simm.s32 $0x2900;
	[sflag:s31] =	ssyncadd.s32 $0xFFFFF800  }
0x6c: {  	[spmem:s1] =	stream.indirect.scatter.add.f32 [tilespmem:s20], [sflag:$0xB], $0x10, s13, s16, $0xb8;
	[tilespmem:$0x10800] =	vst v63  }
0x6d: {  	s6 =	simm.s32 $0x300  }
0x6e: {  	[tilespmem:s19], [sflag:$0x7] =	stream.indirect.gather [spmem:s3], $0x10, s6, s16, $0xb8;
	[tilespmem:$0x10800] =	vst v63  }
0x6f: {  	_ =	swait.ge [sflag:s21], $0x800  }
0x70: {  	[sflag:s21] =	ssyncset.done $0x0  }
0x71: {  	s12 =	simm.s32 $0x2980;
	[sflag:s21] =	ssyncadd.s32 $0xFFFFF800  }
0x72: {  	[spmem:s1] =	stream.indirect.scatter.add.f32 [tilespmem:s22], [sflag:$0xC], $0x10, s12, s16, $0xb8;
	[tilespmem:$0x10800] =	vst v63  }
0x73: {  	s13 =	simm.s32 $0x380  }
0x74: {  	[tilespmem:s29], [sflag:$0x8] =	stream.indirect.gather [spmem:s3], $0x10, s13, s16, $0xb8;
	[tilespmem:$0x10800] =	vst v63  }
0x75: {  	_ =	swait.ge [sflag:s2], $0x800  }
0x76: {  	[sflag:s2] =	ssyncset.done $0x0  }
0x77: {  	s6 =	simm.s32 $0x2A00;
	[sflag:s2] =	ssyncadd.s32 $0xFFFFF800  }
0x78: {  	[spmem:s1] =	stream.indirect.scatter.add.f32 [tilespmem:s25], [sflag:$0xD], $0x10, s6, s16, $0xb8;
	[tilespmem:$0x10800] =	vst v63  }
0x79: {  	_ =	swait.ge [sflag:s24], $0x800  }
0x7a: {  	[sflag:s24] =	ssyncset.done $0x0  }
0x7b: {  	s12 =	simm.s32 $0x400;
	s13 =	simm.s32 $0x6;
	[sflag:s24] =	ssyncadd.s32 $0xFFFFF800  }
0x7c: {  	[tilespmem:s17], [sflag:$0x1] =	stream.indirect.gather [spmem:s3], $0x10, s12, s16, $0xb8;
	[tilespmem:$0x10800] =	vst v63  }
0x7d: {  	_ =	swait.ge [sflag:s13], $0x800  }
0x7e: {  	[sflag:s13] =	ssyncset.done $0x0  }
0x7f: {  	s24 =	simm.s32 $0x2A80;
	[sflag:s13] =	ssyncadd.s32 $0xFFFFF800  }
0x80: {  	[spmem:s1] =	stream.indirect.scatter.add.f32 [tilespmem:s30], [sflag:$0xE], $0x10, s24, s16, $0xb8;
	[tilespmem:$0x10800] =	vst v63  }
0x81: {  	_ =	swait.ge [sflag:s28], $0x800  }
0x82: {  	[sflag:s28] =	ssyncset.done $0x0  }
0x83: {  	s6 =	simm.s32 $0x480;
	[sflag:s28] =	ssyncadd.s32 $0xFFFFF800  }
0x84: {  	[tilespmem:s18], [sflag:$0x2] =	stream.indirect.gather [spmem:s3], $0x10, s6, s16, $0xb8;
	[tilespmem:$0x10800] =	vst v63  }
0x85: {  	_ =	swait.ge [sflag:s5], $0x800  }
0x86: {  	[sflag:s5] =	ssyncset.done $0x0  }
0x87: {  	s12 =	simm.s32 $0x2B00;
	[sflag:s5] =	ssyncadd.s32 $0xFFFFF800  }
0x88: {  	[spmem:s1] =	stream.indirect.scatter.add.f32 [tilespmem:s19], [sflag:$0xF], $0x10, s12, s16, $0xb8;
	[tilespmem:$0x10800] =	vst v63  }
0x89: {  	_ =	swait.ge [sflag:s7], $0x800  }
0x8a: {  	[sflag:s7] =	ssyncset.done $0x0  }
0x8b: {  	s13 =	simm.s32 $0x500;
	[sflag:s7] =	ssyncadd.s32 $0xFFFFF800  }
0x8c: {  	[tilespmem:s20], [sflag:$0x3] =	stream.indirect.gather [spmem:s3], $0x10, s13, s16, $0xb8;
	[tilespmem:$0x10800] =	vst v63  }
0x8d: {  	_ =	swait.ge [sflag:s8], $0x800  }
0x8e: {  	[sflag:s8] =	ssyncset.done $0x0  }
0x8f: {  	s24 =	simm.s32 $0x2B80;
	[sflag:s8] =	ssyncadd.s32 $0xFFFFF800  }
0x90: {  	[spmem:s1] =	stream.indirect.scatter.add.f32 [tilespmem:s29], [sflag:$0x10], $0x10, s24, s16, $0xb8;
	[tilespmem:$0x10800] =	vst v63  }
0x91: {  	_ =	swait.ge [sflag:s9], $0x800  }
0x92: {  	[sflag:s9] =	ssyncset.done $0x0  }
0x93: {  	s0 =	simm.s32 $0x0;
	s28 =	simm.s32 $0x580;
	[sflag:s9] =	ssyncadd.s32 $0xFFFFF800  }
0x94: {  	[tilespmem:s22], [sflag:$0x4] =	stream.indirect.gather [spmem:s3], $0x10, s28, s16, $0xb8;
	[tilespmem:$0x10800] =	vst v63  }
.LBB2_2:
0x95: {  	_ =	swait.ge [sflag:s23], $0x800  }
0x96: {  	s12 =	sshra.s32 s0, $0x2;
	[sflag:s23] =	ssyncset.done $0x0  }
0x97: {  	s6 =	sadd.s32 $0x2C00, s12;
	[sflag:s23] =	ssyncadd.s32 $0xFFFFF800  }
0x98: {  	[spmem:s1] =	stream.indirect.scatter.add.f32 [tilespmem:s17], [sflag:$0x9], $0x10, s6, s16, $0xb8;
	[tilespmem:$0x10800] =	vst v63  }
0x99: {  	_ =	swait.ge [sflag:s10], $0x800  }
0x9a: {  	[sflag:s10] =	ssyncset.done $0x0  }
0x9b: {  	s13 =	sadd.s32 $0x600, s12;
	[sflag:s10] =	ssyncadd.s32 $0xFFFFF800  }
0x9c: {  	[tilespmem:s25], [sflag:$0x5] =	stream.indirect.gather [spmem:s3], $0x10, s13, s16, $0xb8;
	[tilespmem:$0x10800] =	vst v63  }
0x9d: {  	_ =	swait.ge [sflag:s26], $0x800  }
0x9e: {  	[sflag:s26] =	ssyncset.done $0x0  }
0x9f: {  	s24 =	sadd.s32 $0x2C80, s12;
	[sflag:s26] =	ssyncadd.s32 $0xFFFFF800  }
0xa0: {  	[spmem:s1] =	stream.indirect.scatter.add.f32 [tilespmem:s18], [sflag:$0xA], $0x10, s24, s16, $0xb8;
	[tilespmem:$0x10800] =	vst v63  }
0xa1: {  	_ =	swait.ge [sflag:s15], $0x800  }
0xa2: {  	[sflag:s15] =	ssyncset.done $0x0  }
0xa3: {  	s28 =	sadd.s32 $0x680, s12;
	[sflag:s15] =	ssyncadd.s32 $0xFFFFF800  }
0xa4: {  	[tilespmem:s30], [sflag:$0x6] =	stream.indirect.gather [spmem:s3], $0x10, s28, s16, $0xb8;
	[tilespmem:$0x10800] =	vst v63  }
0xa5: {  	_ =	swait.ge [sflag:s31], $0x800  }
0xa6: {  	[sflag:s31] =	ssyncset.done $0x0  }
0xa7: {  	s13 =	sadd.s32 $0x2D00, s12;
	[sflag:s31] =	ssyncadd.s32 $0xFFFFF800  }
0xa8: {  	[spmem:s1] =	stream.indirect.scatter.add.f32 [tilespmem:s20], [sflag:$0xB], $0x10, s13, s16, $0xb8;
	[tilespmem:$0x10800] =	vst v63  }
0xa9: {  	_ =	swait.ge [sflag:s11], $0x800  }
0xaa: {  	[sflag:s11] =	ssyncset.done $0x0  }
0xab: {  	s24 =	sadd.s32 $0x700, s12;
	[sflag:s11] =	ssyncadd.s32 $0xFFFFF800  }
0xac: {  	[tilespmem:s19], [sflag:$0x7] =	stream.indirect.gather [spmem:s3], $0x10, s24, s16, $0xb8;
	[tilespmem:$0x10800] =	vst v63  }
0xad: {  	_ =	swait.ge [sflag:s21], $0x800  }
0xae: {  	[sflag:s21] =	ssyncset.done $0x0  }
0xaf: {  	s28 =	sadd.s32 $0x2D80, s12;
	[sflag:s21] =	ssyncadd.s32 $0xFFFFF800  }
0xb0: {  	[spmem:s1] =	stream.indirect.scatter.add.f32 [tilespmem:s22], [sflag:$0xC], $0x10, s28, s16, $0xb8;
	[tilespmem:$0x10800] =	vst v63  }
0xb1: {  	_ =	swait.ge [sflag:s14], $0x800  }
0xb2: {  	[sflag:s14] =	ssyncset.done $0x0  }
0xb3: {  	s13 =	sadd.s32 $0x780, s12;
	[sflag:s14] =	ssyncadd.s32 $0xFFFFF800  }
0xb4: {  	[tilespmem:s29], [sflag:$0x8] =	stream.indirect.gather [spmem:s3], $0x10, s13, s16, $0xb8;
	[tilespmem:$0x10800] =	vst v63  }
0xb5: {  	_ =	swait.ge [sflag:s2], $0x800  }
0xb6: {  	p0 =	seq.s32 s0, $0x8000;
	[sflag:s2] =	ssyncset.done $0x0  }
0xb7: {  	s6 =	simm.s32 @p0 $0x6;
	s24 =	sadd.s32 $0x2E00, s12;
	[sflag:s2] =	ssyncadd.s32 $0xFFFFF800  }
0xb8: {  	[spmem:s1] =	stream.indirect.scatter.add.f32 [tilespmem:s25], [sflag:$0xD], $0x10, s24, s16, $0xb8;
	[tilespmem:$0x10800] =	vst v63  }
0xb9: {  	_ =	swait.ge @p0 [sflag:s6], $0x800  }
0xba: {  	[sflag:s6] =	ssyncset.done @p0 $0x0  }
0xbb: {  	[sflag:s6] =	ssyncadd.s32 @p0 $0xFFFFF800;
	s6 =	sshra.s32 @p0 s0, $0x2  }
0xbc: {  	s28 =	simm.s32 @p0 $0xF000;
	s24 =	simm.s32 @p0 $0x80;
	s6 =	sadd.s32 @p0 $0x2E80, s6  }
0xbd: {  	[spmem:s1] =	stream.indirect.scatter.add.f32 @p0 [tilespmem:s28], [sflag:$0xE], $0x10, s6, s24, $0xb8;
	[tilespmem:$0x10800] =	vst v63  }
0xbe: {  	s6 =	simm.s32 @!p0 $0x9  }
0xbf: {  	_ =	swait.ge @!p0 [sflag:s6], $0x800  }
0xc0: {  	[sflag:s6] =	ssyncset.done @!p0 $0x0  }
0xc1: {  	[sflag:s6] =	ssyncadd.s32 @!p0 $0xFFFFF800;
	s6 =	sshra.s32 @!p0 s0, $0x2  }
0xc2: {  	s13 =	simm.s32 @!p0 $0xC800;
	s28 =	simm.s32 @!p0 $0x80;
	s24 =	sadd.s32 @!p0 $0x800, s6  }
0xc3: {  	[tilespmem:s13], [sflag:$0x1] =	stream.indirect.gather @!p0 [spmem:s3], $0x10, s24, s28, $0xb8;
	[tilespmem:$0x10800] =	vst v63  }
0xc4: {  	s13 =	simm.s32 @!p0 $0x6  }
0xc5: {  	_ =	swait.ge @!p0 [sflag:s13], $0x800  }
0xc6: {  	[sflag:s13] =	ssyncset.done @!p0 $0x0  }
0xc7: {  	s24 =	simm.s32 @!p0 $0xF000;
	[sflag:s13] =	ssyncadd.s32 @!p0 $0xFFFFF800;
	s13 =	sadd.s32 @!p0 $0x2E80, s6  }
0xc8: {  	[spmem:s1] =	stream.indirect.scatter.add.f32 @!p0 [tilespmem:s24], [sflag:$0xE], $0x10, s13, s28, $0xb8;
	[tilespmem:$0x10800] =	vst v63  }
0xc9: {  	s13 =	simm.s32 @!p0 $0xA  }
0xca: {  	_ =	swait.ge @!p0 [sflag:s13], $0x800  }
0xcb: {  	[sflag:s13] =	ssyncset.done @!p0 $0x0  }
0xcc: {  	s6 =	sadd.s32 @!p0 $0x880, s6;
	[sflag:s13] =	ssyncadd.s32 @!p0 $0xFFFFF800;
	s13 =	simm.s32 @!p0 $0xD000  }
0xcd: {  	[tilespmem:s13], [sflag:$0x2] =	stream.indirect.gather @!p0 [spmem:s3], $0x10, s6, s28, $0xb8;
	[tilespmem:$0x10800] =	vst v63  }
.Ltmp2:
0xce: {  	_ = 	snop;
	(pc) =	sbr.rel @p0 .LBB2_4-.Ltmp2, $4  }
0xcf: {  	_ =	swait.ge [sflag:s5], $0x800  }
0xd0: {  	[sflag:s5] =	ssyncset.done $0x0  }
0xd1: {  	s28 =	sadd.s32 $0x2F00, s12;
	s6 =	sadd.s32 $0x2F80, s12;
	[sflag:s5] =	ssyncadd.s32 $0xFFFFF800  }
0xd2: {  	[spmem:s1] =	stream.indirect.scatter.add.f32 [tilespmem:s19], [sflag:$0xF], $0x10, s28, s16, $0xb8;
	[tilespmem:$0x10800] =	vst v63  }
0xd3: {  	_ =	swait.ge [sflag:s7], $0x800  }
0xd4: {  	[sflag:s7] =	ssyncset.done $0x0  }
0xd5: {  	s13 =	sadd.s32 $0x900, s12;
	[sflag:s7] =	ssyncadd.s32 $0xFFFFF800  }
0xd6: {  	[tilespmem:s20], [sflag:$0x3] =	stream.indirect.gather [spmem:s3], $0x10, s13, s16, $0xb8;
	[tilespmem:$0x10800] =	vst v63  }
0xd7: {  	_ =	swait.ge [sflag:s8], $0x800  }
0xd8: {  	[sflag:s8] =	ssyncset.done $0x0  }
0xd9: {  	[sflag:s8] =	ssyncadd.s32 $0xFFFFF800  }
0xda: {  	[spmem:s1] =	stream.indirect.scatter.add.f32 [tilespmem:s29], [sflag:$0x10], $0x10, s6, s16, $0xb8;
	[tilespmem:$0x10800] =	vst v63  }
.Ltmp3:
0xdb: {  	_ = 	snop;
	(pc) =	sbr.rel .LBB2_2-.Ltmp3, $4  }
0xdc: {  	_ =	swait.ge [sflag:s9], $0x800  }
0xdd: {  	[sflag:s9] =	ssyncset.done $0x0  }
0xde: {  	s28 =	sadd.s32 $0x980, s12;
	s0 =	sadd.s32 $0x1000, s0;
	[sflag:s9] =	ssyncadd.s32 $0xFFFFF800  }
0xdf: {  	[tilespmem:s22], [sflag:$0x4] =	stream.indirect.gather [spmem:s3], $0x10, s28, s16, $0xb8;
	[tilespmem:$0x10800] =	vst v63  }
.LBB2_5:
0xe0: {  	_ =	sfence.sel $0x180000  }
0xe1: {  	[bflag:$0x0] =	sbarrier.arrive $0xFFFF  }
0xe2: {  	_ =	strace $0x90000047  }
0xe3: {  	s0 =	stileid.u32;
	[bflag:$0x2] =	sbarrier.arrive $0xFFFF  }
0xe4: {  	p0 =	sne.s32 s0, $0x0;
	s0 =	rddreg [dreg:$0x3]  }
0xe5: {  	s0 =	sadd.s32 @!p0 $0x100000, s0  }
0xe6: {  	[sflag:s0] =	ssyncadd.tile.s32 @!p0 $0x1;
	_ =	shalt  }
.Lfunc_end2:
_tile_overlayer_lowered:
.L_overlay_start_2:
0xe7: {  	(tag) =	ssettag $0x2  }
0xe8: {  	s0 =	rddreg [dreg:$0x0];
	s2 =	stileid.u32  }
0xe9: {  	s1 =	rddreg [dreg:$0x1];
	p0 =	sne.s32 s2, $0x0  }
0xea: {  	s3 =	rddreg [dreg:$0x2];
	[bflag:$0x3] =	sbarrier.arrive $0xFFFF;
	s2 =	simm.s32 @!p0 $0x1C11  }
0xeb: {  	[timem:s3], [sflag:s2] =	dma.local @!p0 [hbm:s0], s1  }
0xec: {  	s0 =	simm.s32 @!p0 $0x11  }
0xed: {  	_ =	swait.ge @!p0 [sflag:s0], s1  }
0xee: {  	s1 =	ssub.s32 @!p0 $0x0, s1;
	[sflag:s0] =	ssyncset.done @!p0 $0x0  }
0xef: {  	[sflag:s0] =	ssyncadd.s32 @!p0 s1  }
0xf0: {  	[bflag:$0x3] =	sbarrier.arrive $0xFFFF  }
0xf1: {  	_ =	shalt  }

</sc_bundles>
